<compile_context>
chip_gen: v7x
topology: tpu7x:2x2x1
jax: 0.10.2.dev20260603
libtpu: 0.0.44.dev20260713+nightly
codegen_flags: <defaults>
</compile_context>

<pallas_src>
import functools

import jax
import jax.numpy as jnp
from jax import lax
from jax.experimental import pallas as pl
from jax.experimental.pallas import tpu as pltpu
from jax.experimental.pallas import tpu_sc as plsc

_VOCAB = 1000000
_CHUNK = 128


def _make_lookup(batch, vocab, dim, nc, ns):
    num_workers = nc * ns
    b_per_w = batch // num_workers
    n_chunks = b_per_w // _CHUNK
    mesh = plsc.VectorSubcoreMesh(core_axis_name="c", subcore_axis_name="s")

    @functools.partial(
        pl.kernel,
        mesh=mesh,
        out_type=jax.ShapeDtypeStruct((batch, dim), jnp.float32),
        scratch_types=[
            pltpu.VMEM((n_chunks, _CHUNK), jnp.int32),
            pltpu.VMEM((b_per_w, dim), jnp.float32),
            pltpu.SemaphoreType.DMA,
            pltpu.SemaphoreType.DMA,
        ],
        compiler_params=pltpu.CompilerParams(use_tc_tiling_on_sc=False),
    )
    def lookup(x_hbm, table_hbm, out_hbm, idx_v, rows_v, gsem, osem):
        wid = lax.axis_index("s") * nc + lax.axis_index("c")
        base = wid * b_per_w
        pltpu.sync_copy(x_hbm.at[pl.ds(wid * n_chunks, n_chunks)], idx_v)
        for i in range(b_per_w // 16):
            r, c = (i * 16) // _CHUNK, (i * 16) % _CHUNK
            v = idx_v[r, pl.ds(c, 16)]
            idx_v[r, pl.ds(c, 16)] = jnp.minimum(
                jnp.maximum(v, jnp.int32(0)), jnp.int32(vocab - 1)
            )
        for j in range(n_chunks):
            pltpu.async_copy(
                table_hbm.at[idx_v.at[j]],
                rows_v.at[pl.ds(j * _CHUNK, _CHUNK)],
                gsem,
            )
        for j in range(n_chunks):
            pltpu.make_async_copy(
                table_hbm.at[idx_v.at[j]],
                rows_v.at[pl.ds(j * _CHUNK, _CHUNK)],
                gsem,
            ).wait()
        pltpu.async_copy(rows_v, out_hbm.at[pl.ds(base, b_per_w)], osem).wait()

    return lookup


def kernel(x, table):
    vocab, dim = table.shape
    info = plsc.get_sparse_core_info()
    fn = _make_lookup(x.shape[0], vocab, dim, info.num_cores, info.num_subcores)
    x2d = x.astype(jnp.int32).reshape(-1, _CHUNK)
    return fn(x2d, table)

# --- scband reference (transcript-rebuilt; emitter-appended) ---
"""Pipeline reference for scband-prior-discrete-89859305767282 (READ-ONLY COPY).

The authoritative reference and input builder live on the scoring server;
editing this copy changes nothing except your own understanding.
"""

import jax, jax.numpy as jnp
import numpy as np

VOCAB = 1000000  # Max - Min + 1 from distribution_fbb (Min=0, Max=999999)
EMBED_DIM = 32
BATCH = 16384
MIN_VAL = 0


def setup_inputs(seed: int = 0) -> dict:
    key = jax.random.key(seed)
    k_idx, k_tab = jax.random.split(key)
    x = jax.random.randint(k_idx, (BATCH,), 0, VOCAB, dtype=jnp.int64)
    # Learned parameter: bounded-integer embedding table of the PriorDiscrete's _value
    table = jax.random.normal(k_tab, (VOCAB, EMBED_DIM), dtype=jnp.float32) * 0.02
    return {"x": x, "table": table}


def reference(x, table):
    # PriorDiscrete.forward(x) -> self._value(x), where _value is a bounded-integer
    # embedding built by bounded_integer_builder(min_val, max_val):
    # shift by min_val, clamp to valid range, then embedding-lookup.
    idx = jnp.clip(x - MIN_VAL, 0, VOCAB - 1)
    return jnp.take(table, idx, axis=0)

if __name__ == "__main__":
    import jax
    _d = setup_inputs()
    print(jax.jit(kernel)(*tuple(_d.values())))

</pallas_src>

<mosaic_0001>
#map = affine_map<(d0, d1) -> (0, 0)>
module attributes {stable_mosaic.version = 14 : i64} {
  func.func @lookup(%arg0: i32, %arg1: i32, %arg2: memref<128x128xi32, #tpu.memory_space<hbm>>, %arg3: memref<1000000x32xf32, #tpu.memory_space<hbm>>, %arg4: memref<16384x32xf32, #tpu.memory_space<hbm>>, %arg5: memref<4x128xi32, #tpu.memory_space<vmem>>, %arg6: memref<512x32xf32, #tpu.memory_space<vmem>>, %arg7: memref<!tpu.dma_semaphore, #tpu.memory_space<semaphore_mem>>, %arg8: memref<!tpu.dma_semaphore, #tpu.memory_space<semaphore_mem>>) attributes {dimension_semantics = [#tpu.dimension_semantics<core_parallel>, #tpu.dimension_semantics<subcore_parallel>], iteration_bounds = array<i64: 2, 16>, scalar_prefetch = 0 : i64, scratch_operands = 4 : i64, tpu.core_type = #tpu.core_type<sc_vector_subcore>, window_params = [{transform_indices = #map}, {transform_indices = #map}, {transform_indices = #map}]} {
    %mul3A = arith.constant 2 : i32
    %mul3A_0 = arith.muli %arg1, %mul3A : i32
    %add3A = arith.addi %mul3A_0, %arg0 : i32
    %mul3A_1 = arith.constant 512 : i32
    %mul3A_2 = arith.muli %add3A, %mul3A_1 : i32
    %mul3A_3 = arith.constant 4 : i32
    %mul3A_4 = arith.muli %add3A, %mul3A_3 : i32
    "tpu.region"() ({
      %run_scoped3A = tpu.sem_alloc : memref<!tpu.dma_semaphore, #tpu.memory_space<semaphore_mem>>
      %dma_start3A_631 = arith.constant 0 : i32
      %dma_start3A_632 = tpu.memref_slice %arg2[%mul3A_4, %dma_start3A_631] : memref<128x128xi32, #tpu.memory_space<hbm>> -> memref<4x128xi32, #tpu.memory_space<hbm>>
      %dma_start3A_633 = arith.constant 0 : i32
      %dma_start3A_634 = tpu.memref_slice %arg2[%mul3A_4, %dma_start3A_633] : memref<128x128xi32, #tpu.memory_space<hbm>> -> memref<4x128xi32, #tpu.memory_space<hbm>>
      tpu.enqueue_dma source(%dma_start3A_634 : memref<4x128xi32, #tpu.memory_space<hbm>>) target(%arg5 : memref<4x128xi32, #tpu.memory_space<vmem>>) target_semaphore(%run_scoped3A : memref<!tpu.dma_semaphore, #tpu.memory_space<semaphore_mem>>)
      %dma_wait3A_635 = arith.constant 0 : i32
      %dma_wait3A_636 = tpu.memref_slice %arg2[%mul3A_4, %dma_wait3A_635] : memref<128x128xi32, #tpu.memory_space<hbm>> -> memref<4x128xi32, #tpu.memory_space<hbm>>
      %dma_wait3A_637 = arith.constant 0 : i32
      %dma_wait3A_638 = tpu.memref_slice %arg2[%mul3A_4, %dma_wait3A_637] : memref<128x128xi32, #tpu.memory_space<hbm>> -> memref<4x128xi32, #tpu.memory_space<hbm>>
      tpu.wait_dma2 semaphore(%run_scoped3A : memref<!tpu.dma_semaphore, #tpu.memory_space<semaphore_mem>>) src(%dma_wait3A_638 : memref<4x128xi32, #tpu.memory_space<hbm>>) dst(%arg5 : memref<4x128xi32, #tpu.memory_space<vmem>>)
      tpu.yield
    }) : () -> ()
    %get3A = arith.constant 0 : i32
    %get3A_5 = arith.index_cast %get3A : i32 to index
    %get3A_6 = arith.constant 0 : index
    %get3A_7 = tpu.vector_load %arg5[%get3A_5, %get3A_6] {strides = array<i32>} : memref<4x128xi32, #tpu.memory_space<vmem>>, vector<1x16xi32>,
    %get3A_8 = vector.shape_cast %get3A_7 : vector<1x16xi32> to vector<16xi32>
    %max3A = arith.constant 0 : i32
    %max3A_9 = vector.broadcast %max3A : i32 to vector<16xi32>
    %max3A_10 = arith.maxsi %get3A_8, %max3A_9 : vector<16xi32>
    %min3A = arith.constant 999999 : i32
    %min3A_11 = vector.broadcast %min3A : i32 to vector<16xi32>
    %min3A_12 = arith.minsi %max3A_10, %min3A_11 : vector<16xi32>
    %swap3A = arith.constant 0 : i32
    %swap3A_13 = arith.index_cast %swap3A : i32 to index
    %swap3A_14 = arith.constant 0 : index
    %swap3A_15 = tpu.vector_load %arg5[%swap3A_13, %swap3A_14] {strides = array<i32>} : memref<4x128xi32, #tpu.memory_space<vmem>>, vector<1x16xi32>,
    %swap3A_16 = vector.shape_cast %swap3A_15 : vector<1x16xi32> to vector<16xi32>
    %swap3A_17 = vector.shape_cast %min3A_12 : vector<16xi32> to vector<1x16xi32>
    tpu.vector_store %arg5[%swap3A_13, %swap3A_14], %swap3A_17 {strides = array<i32>} : memref<4x128xi32, #tpu.memory_space<vmem>>, vector<1x16xi32>,
    %get3A_18 = arith.constant 0 : i32
    %get3A_19 = arith.index_cast %get3A_18 : i32 to index
    %get3A_20 = arith.constant 16 : index
    %get3A_21 = tpu.vector_load %arg5[%get3A_19, %get3A_20] {strides = array<i32>} : memref<4x128xi32, #tpu.memory_space<vmem>>, vector<1x16xi32>,
    %get3A_22 = vector.shape_cast %get3A_21 : vector<1x16xi32> to vector<16xi32>
    %max3A_23 = arith.constant 0 : i32
    %max3A_24 = vector.broadcast %max3A_23 : i32 to vector<16xi32>
    %max3A_25 = arith.maxsi %get3A_22, %max3A_24 : vector<16xi32>
    %min3A_26 = arith.constant 999999 : i32
    %min3A_27 = vector.broadcast %min3A_26 : i32 to vector<16xi32>
    %min3A_28 = arith.minsi %max3A_25, %min3A_27 : vector<16xi32>
    %swap3A_29 = arith.constant 0 : i32
    %swap3A_30 = arith.index_cast %swap3A_29 : i32 to index
    %swap3A_31 = arith.constant 16 : index
    %swap3A_32 = tpu.vector_load %arg5[%swap3A_30, %swap3A_31] {strides = array<i32>} : memref<4x128xi32, #tpu.memory_space<vmem>>, vector<1x16xi32>,
    %swap3A_33 = vector.shape_cast %swap3A_32 : vector<1x16xi32> to vector<16xi32>
    %swap3A_34 = vector.shape_cast %min3A_28 : vector<16xi32> to vector<1x16xi32>
    tpu.vector_store %arg5[%swap3A_30, %swap3A_31], %swap3A_34 {strides = array<i32>} : memref<4x128xi32, #tpu.memory_space<vmem>>, vector<1x16xi32>,
    %get3A_35 = arith.constant 0 : i32
    %get3A_36 = arith.index_cast %get3A_35 : i32 to index
    %get3A_37 = arith.constant 32 : index
    %get3A_38 = tpu.vector_load %arg5[%get3A_36, %get3A_37] {strides = array<i32>} : memref<4x128xi32, #tpu.memory_space<vmem>>, vector<1x16xi32>,
    %get3A_39 = vector.shape_cast %get3A_38 : vector<1x16xi32> to vector<16xi32>
    %max3A_40 = arith.constant 0 : i32
    %max3A_41 = vector.broadcast %max3A_40 : i32 to vector<16xi32>
    %max3A_42 = arith.maxsi %get3A_39, %max3A_41 : vector<16xi32>
    %min3A_43 = arith.constant 999999 : i32
    %min3A_44 = vector.broadcast %min3A_43 : i32 to vector<16xi32>
    %min3A_45 = arith.minsi %max3A_42, %min3A_44 : vector<16xi32>
    %swap3A_46 = arith.constant 0 : i32
    %swap3A_47 = arith.index_cast %swap3A_46 : i32 to index
    %swap3A_48 = arith.constant 32 : index
    %swap3A_49 = tpu.vector_load %arg5[%swap3A_47, %swap3A_48] {strides = array<i32>} : memref<4x128xi32, #tpu.memory_space<vmem>>, vector<1x16xi32>,
    %swap3A_50 = vector.shape_cast %swap3A_49 : vector<1x16xi32> to vector<16xi32>
    %swap3A_51 = vector.shape_cast %min3A_45 : vector<16xi32> to vector<1x16xi32>
    tpu.vector_store %arg5[%swap3A_47, %swap3A_48], %swap3A_51 {strides = array<i32>} : memref<4x128xi32, #tpu.memory_space<vmem>>, vector<1x16xi32>,
    %get3A_52 = arith.constant 0 : i32
    %get3A_53 = arith.index_cast %get3A_52 : i32 to index
    %get3A_54 = arith.constant 48 : index
    %get3A_55 = tpu.vector_load %arg5[%get3A_53, %get3A_54] {strides = array<i32>} : memref<4x128xi32, #tpu.memory_space<vmem>>, vector<1x16xi32>,
    %get3A_56 = vector.shape_cast %get3A_55 : vector<1x16xi32> to vector<16xi32>
    %max3A_57 = arith.constant 0 : i32
    %max3A_58 = vector.broadcast %max3A_57 : i32 to vector<16xi32>
    %max3A_59 = arith.maxsi %get3A_56, %max3A_58 : vector<16xi32>
    %min3A_60 = arith.constant 999999 : i32
    %min3A_61 = vector.broadcast %min3A_60 : i32 to vector<16xi32>
    %min3A_62 = arith.minsi %max3A_59, %min3A_61 : vector<16xi32>
    %swap3A_63 = arith.constant 0 : i32
    %swap3A_64 = arith.index_cast %swap3A_63 : i32 to index
    %swap3A_65 = arith.constant 48 : index
    %swap3A_66 = tpu.vector_load %arg5[%swap3A_64, %swap3A_65] {strides = array<i32>} : memref<4x128xi32, #tpu.memory_space<vmem>>, vector<1x16xi32>,
    %swap3A_67 = vector.shape_cast %swap3A_66 : vector<1x16xi32> to vector<16xi32>
    %swap3A_68 = vector.shape_cast %min3A_62 : vector<16xi32> to vector<1x16xi32>
    tpu.vector_store %arg5[%swap3A_64, %swap3A_65], %swap3A_68 {strides = array<i32>} : memref<4x128xi32, #tpu.memory_space<vmem>>, vector<1x16xi32>,
    %get3A_69 = arith.constant 0 : i32
    %get3A_70 = arith.index_cast %get3A_69 : i32 to index
    %get3A_71 = arith.constant 64 : index
    %get3A_72 = tpu.vector_load %arg5[%get3A_70, %get3A_71] {strides = array<i32>} : memref<4x128xi32, #tpu.memory_space<vmem>>, vector<1x16xi32>,
    %get3A_73 = vector.shape_cast %get3A_72 : vector<1x16xi32> to vector<16xi32>
    %max3A_74 = arith.constant 0 : i32
    %max3A_75 = vector.broadcast %max3A_74 : i32 to vector<16xi32>
    %max3A_76 = arith.maxsi %get3A_73, %max3A_75 : vector<16xi32>
    %min3A_77 = arith.constant 999999 : i32
    %min3A_78 = vector.broadcast %min3A_77 : i32 to vector<16xi32>
    %min3A_79 = arith.minsi %max3A_76, %min3A_78 : vector<16xi32>
    %swap3A_80 = arith.constant 0 : i32
    %swap3A_81 = arith.index_cast %swap3A_80 : i32 to index
    %swap3A_82 = arith.constant 64 : index
    %swap3A_83 = tpu.vector_load %arg5[%swap3A_81, %swap3A_82] {strides = array<i32>} : memref<4x128xi32, #tpu.memory_space<vmem>>, vector<1x16xi32>,
    %swap3A_84 = vector.shape_cast %swap3A_83 : vector<1x16xi32> to vector<16xi32>
    %swap3A_85 = vector.shape_cast %min3A_79 : vector<16xi32> to vector<1x16xi32>
    tpu.vector_store %arg5[%swap3A_81, %swap3A_82], %swap3A_85 {strides = array<i32>} : memref<4x128xi32, #tpu.memory_space<vmem>>, vector<1x16xi32>,
    %get3A_86 = arith.constant 0 : i32
    %get3A_87 = arith.index_cast %get3A_86 : i32 to index
    %get3A_88 = arith.constant 80 : index
    %get3A_89 = tpu.vector_load %arg5[%get3A_87, %get3A_88] {strides = array<i32>} : memref<4x128xi32, #tpu.memory_space<vmem>>, vector<1x16xi32>,
    %get3A_90 = vector.shape_cast %get3A_89 : vector<1x16xi32> to vector<16xi32>
    %max3A_91 = arith.constant 0 : i32
    %max3A_92 = vector.broadcast %max3A_91 : i32 to vector<16xi32>
    %max3A_93 = arith.maxsi %get3A_90, %max3A_92 : vector<16xi32>
    %min3A_94 = arith.constant 999999 : i32
    %min3A_95 = vector.broadcast %min3A_94 : i32 to vector<16xi32>
    %min3A_96 = arith.minsi %max3A_93, %min3A_95 : vector<16xi32>
    %swap3A_97 = arith.constant 0 : i32
    %swap3A_98 = arith.index_cast %swap3A_97 : i32 to index
    %swap3A_99 = arith.constant 80 : index
    %swap3A_100 = tpu.vector_load %arg5[%swap3A_98, %swap3A_99] {strides = array<i32>} : memref<4x128xi32, #tpu.memory_space<vmem>>, vector<1x16xi32>,
    %swap3A_101 = vector.shape_cast %swap3A_100 : vector<1x16xi32> to vector<16xi32>
    %swap3A_102 = vector.shape_cast %min3A_96 : vector<16xi32> to vector<1x16xi32>
    tpu.vector_store %arg5[%swap3A_98, %swap3A_99], %swap3A_102 {strides = array<i32>} : memref<4x128xi32, #tpu.memory_space<vmem>>, vector<1x16xi32>,
    %get3A_103 = arith.constant 0 : i32
    %get3A_104 = arith.index_cast %get3A_103 : i32 to index
    %get3A_105 = arith.constant 96 : index
    %get3A_106 = tpu.vector_load %arg5[%get3A_104, %get3A_105] {strides = array<i32>} : memref<4x128xi32, #tpu.memory_space<vmem>>, vector<1x16xi32>,
    %get3A_107 = vector.shape_cast %get3A_106 : vector<1x16xi32> to vector<16xi32>
    %max3A_108 = arith.constant 0 : i32
    %max3A_109 = vector.broadcast %max3A_108 : i32 to vector<16xi32>
    %max3A_110 = arith.maxsi %get3A_107, %max3A_109 : vector<16xi32>
    %min3A_111 = arith.constant 999999 : i32
    %min3A_112 = vector.broadcast %min3A_111 : i32 to vector<16xi32>
    %min3A_113 = arith.minsi %max3A_110, %min3A_112 : vector<16xi32>
    %swap3A_114 = arith.constant 0 : i32
    %swap3A_115 = arith.index_cast %swap3A_114 : i32 to index
    %swap3A_116 = arith.constant 96 : index
    %swap3A_117 = tpu.vector_load %arg5[%swap3A_115, %swap3A_116] {strides = array<i32>} : memref<4x128xi32, #tpu.memory_space<vmem>>, vector<1x16xi32>,
    %swap3A_118 = vector.shape_cast %swap3A_117 : vector<1x16xi32> to vector<16xi32>
    %swap3A_119 = vector.shape_cast %min3A_113 : vector<16xi32> to vector<1x16xi32>
    tpu.vector_store %arg5[%swap3A_115, %swap3A_116], %swap3A_119 {strides = array<i32>} : memref<4x128xi32, #tpu.memory_space<vmem>>, vector<1x16xi32>,
    %get3A_120 = arith.constant 0 : i32
    %get3A_121 = arith.index_cast %get3A_120 : i32 to index
    %get3A_122 = arith.constant 112 : index
    %get3A_123 = tpu.vector_load %arg5[%get3A_121, %get3A_122] {strides = array<i32>} : memref<4x128xi32, #tpu.memory_space<vmem>>, vector<1x16xi32>,
    %get3A_124 = vector.shape_cast %get3A_123 : vector<1x16xi32> to vector<16xi32>
    %max3A_125 = arith.constant 0 : i32
    %max3A_126 = vector.broadcast %max3A_125 : i32 to vector<16xi32>
    %max3A_127 = arith.maxsi %get3A_124, %max3A_126 : vector<16xi32>
    %min3A_128 = arith.constant 999999 : i32
    %min3A_129 = vector.broadcast %min3A_128 : i32 to vector<16xi32>
    %min3A_130 = arith.minsi %max3A_127, %min3A_129 : vector<16xi32>
    %swap3A_131 = arith.constant 0 : i32
    %swap3A_132 = arith.index_cast %swap3A_131 : i32 to index
    %swap3A_133 = arith.constant 112 : index
    %swap3A_134 = tpu.vector_load %arg5[%swap3A_132, %swap3A_133] {strides = array<i32>} : memref<4x128xi32, #tpu.memory_space<vmem>>, vector<1x16xi32>,
    %swap3A_135 = vector.shape_cast %swap3A_134 : vector<1x16xi32> to vector<16xi32>
    %swap3A_136 = vector.shape_cast %min3A_130 : vector<16xi32> to vector<1x16xi32>
    tpu.vector_store %arg5[%swap3A_132, %swap3A_133], %swap3A_136 {strides = array<i32>} : memref<4x128xi32, #tpu.memory_space<vmem>>, vector<1x16xi32>,
    %get3A_137 = arith.constant 1 : i32
    %get3A_138 = arith.index_cast %get3A_137 : i32 to index
    %get3A_139 = arith.constant 0 : index
    %get3A_140 = tpu.vector_load %arg5[%get3A_138, %get3A_139] {strides = array<i32>} : memref<4x128xi32, #tpu.memory_space<vmem>>, vector<1x16xi32>,
    %get3A_141 = vector.shape_cast %get3A_140 : vector<1x16xi32> to vector<16xi32>
    %max3A_142 = arith.constant 0 : i32
    %max3A_143 = vector.broadcast %max3A_142 : i32 to vector<16xi32>
    %max3A_144 = arith.maxsi %get3A_141, %max3A_143 : vector<16xi32>
    %min3A_145 = arith.constant 999999 : i32
    %min3A_146 = vector.broadcast %min3A_145 : i32 to vector<16xi32>
    %min3A_147 = arith.minsi %max3A_144, %min3A_146 : vector<16xi32>
    %swap3A_148 = arith.constant 1 : i32
    %swap3A_149 = arith.index_cast %swap3A_148 : i32 to index
    %swap3A_150 = arith.constant 0 : index
    %swap3A_151 = tpu.vector_load %arg5[%swap3A_149, %swap3A_150] {strides = array<i32>} : memref<4x128xi32, #tpu.memory_space<vmem>>, vector<1x16xi32>,
    %swap3A_152 = vector.shape_cast %swap3A_151 : vector<1x16xi32> to vector<16xi32>
    %swap3A_153 = vector.shape_cast %min3A_147 : vector<16xi32> to vector<1x16xi32>
    tpu.vector_store %arg5[%swap3A_149, %swap3A_150], %swap3A_153 {strides = array<i32>} : memref<4x128xi32, #tpu.memory_space<vmem>>, vector<1x16xi32>,
    %get3A_154 = arith.constant 1 : i32
    %get3A_155 = arith.index_cast %get3A_154 : i32 to index
    %get3A_156 = arith.constant 16 : index
    %get3A_157 = tpu.vector_load %arg5[%get3A_155, %get3A_156] {strides = array<i32>} : memref<4x128xi32, #tpu.memory_space<vmem>>, vector<1x16xi32>,
    %get3A_158 = vector.shape_cast %get3A_157 : vector<1x16xi32> to vector<16xi32>
    %max3A_159 = arith.constant 0 : i32
    %max3A_160 = vector.broadcast %max3A_159 : i32 to vector<16xi32>
    %max3A_161 = arith.maxsi %get3A_158, %max3A_160 : vector<16xi32>
    %min3A_162 = arith.constant 999999 : i32
    %min3A_163 = vector.broadcast %min3A_162 : i32 to vector<16xi32>
    %min3A_164 = arith.minsi %max3A_161, %min3A_163 : vector<16xi32>
    %swap3A_165 = arith.constant 1 : i32
    %swap3A_166 = arith.index_cast %swap3A_165 : i32 to index
    %swap3A_167 = arith.constant 16 : index
    %swap3A_168 = tpu.vector_load %arg5[%swap3A_166, %swap3A_167] {strides = array<i32>} : memref<4x128xi32, #tpu.memory_space<vmem>>, vector<1x16xi32>,
    %swap3A_169 = vector.shape_cast %swap3A_168 : vector<1x16xi32> to vector<16xi32>
    %swap3A_170 = vector.shape_cast %min3A_164 : vector<16xi32> to vector<1x16xi32>
    tpu.vector_store %arg5[%swap3A_166, %swap3A_167], %swap3A_170 {strides = array<i32>} : memref<4x128xi32, #tpu.memory_space<vmem>>, vector<1x16xi32>,
    %get3A_171 = arith.constant 1 : i32
    %get3A_172 = arith.index_cast %get3A_171 : i32 to index
    %get3A_173 = arith.constant 32 : index
    %get3A_174 = tpu.vector_load %arg5[%get3A_172, %get3A_173] {strides = array<i32>} : memref<4x128xi32, #tpu.memory_space<vmem>>, vector<1x16xi32>,
    %get3A_175 = vector.shape_cast %get3A_174 : vector<1x16xi32> to vector<16xi32>
    %max3A_176 = arith.constant 0 : i32
    %max3A_177 = vector.broadcast %max3A_176 : i32 to vector<16xi32>
    %max3A_178 = arith.maxsi %get3A_175, %max3A_177 : vector<16xi32>
    %min3A_179 = arith.constant 999999 : i32
    %min3A_180 = vector.broadcast %min3A_179 : i32 to vector<16xi32>
    %min3A_181 = arith.minsi %max3A_178, %min3A_180 : vector<16xi32>
    %swap3A_182 = arith.constant 1 : i32
    %swap3A_183 = arith.index_cast %swap3A_182 : i32 to index
    %swap3A_184 = arith.constant 32 : index
    %swap3A_185 = tpu.vector_load %arg5[%swap3A_183, %swap3A_184] {strides = array<i32>} : memref<4x128xi32, #tpu.memory_space<vmem>>, vector<1x16xi32>,
    %swap3A_186 = vector.shape_cast %swap3A_185 : vector<1x16xi32> to vector<16xi32>
    %swap3A_187 = vector.shape_cast %min3A_181 : vector<16xi32> to vector<1x16xi32>
    tpu.vector_store %arg5[%swap3A_183, %swap3A_184], %swap3A_187 {strides = array<i32>} : memref<4x128xi32, #tpu.memory_space<vmem>>, vector<1x16xi32>,
    %get3A_188 = arith.constant 1 : i32
    %get3A_189 = arith.index_cast %get3A_188 : i32 to index
    %get3A_190 = arith.constant 48 : index
    %get3A_191 = tpu.vector_load %arg5[%get3A_189, %get3A_190] {strides = array<i32>} : memref<4x128xi32, #tpu.memory_space<vmem>>, vector<1x16xi32>,
    %get3A_192 = vector.shape_cast %get3A_191 : vector<1x16xi32> to vector<16xi32>
    %max3A_193 = arith.constant 0 : i32
    %max3A_194 = vector.broadcast %max3A_193 : i32 to vector<16xi32>
    %max3A_195 = arith.maxsi %get3A_192, %max3A_194 : vector<16xi32>
    %min3A_196 = arith.constant 999999 : i32
    %min3A_197 = vector.broadcast %min3A_196 : i32 to vector<16xi32>
    %min3A_198 = arith.minsi %max3A_195, %min3A_197 : vector<16xi32>
    %swap3A_199 = arith.constant 1 : i32
    %swap3A_200 = arith.index_cast %swap3A_199 : i32 to index
    %swap3A_201 = arith.constant 48 : index
    %swap3A_202 = tpu.vector_load %arg5[%swap3A_200, %swap3A_201] {strides = array<i32>} : memref<4x128xi32, #tpu.memory_space<vmem>>, vector<1x16xi32>,
    %swap3A_203 = vector.shape_cast %swap3A_202 : vector<1x16xi32> to vector<16xi32>
    %swap3A_204 = vector.shape_cast %min3A_198 : vector<16xi32> to vector<1x16xi32>
    tpu.vector_store %arg5[%swap3A_200, %swap3A_201], %swap3A_204 {strides = array<i32>} : memref<4x128xi32, #tpu.memory_space<vmem>>, vector<1x16xi32>,
    %get3A_205 = arith.constant 1 : i32
    %get3A_206 = arith.index_cast %get3A_205 : i32 to index
    %get3A_207 = arith.constant 64 : index
    %get3A_208 = tpu.vector_load %arg5[%get3A_206, %get3A_207] {strides = array<i32>} : memref<4x128xi32, #tpu.memory_space<vmem>>, vector<1x16xi32>,
    %get3A_209 = vector.shape_cast %get3A_208 : vector<1x16xi32> to vector<16xi32>
    %max3A_210 = arith.constant 0 : i32
    %max3A_211 = vector.broadcast %max3A_210 : i32 to vector<16xi32>
    %max3A_212 = arith.maxsi %get3A_209, %max3A_211 : vector<16xi32>
    %min3A_213 = arith.constant 999999 : i32
    %min3A_214 = vector.broadcast %min3A_213 : i32 to vector<16xi32>
    %min3A_215 = arith.minsi %max3A_212, %min3A_214 : vector<16xi32>
    %swap3A_216 = arith.constant 1 : i32
    %swap3A_217 = arith.index_cast %swap3A_216 : i32 to index
    %swap3A_218 = arith.constant 64 : index
    %swap3A_219 = tpu.vector_load %arg5[%swap3A_217, %swap3A_218] {strides = array<i32>} : memref<4x128xi32, #tpu.memory_space<vmem>>, vector<1x16xi32>,
    %swap3A_220 = vector.shape_cast %swap3A_219 : vector<1x16xi32> to vector<16xi32>
    %swap3A_221 = vector.shape_cast %min3A_215 : vector<16xi32> to vector<1x16xi32>
    tpu.vector_store %arg5[%swap3A_217, %swap3A_218], %swap3A_221 {strides = array<i32>} : memref<4x128xi32, #tpu.memory_space<vmem>>, vector<1x16xi32>,
    %get3A_222 = arith.constant 1 : i32
    %get3A_223 = arith.index_cast %get3A_222 : i32 to index
    %get3A_224 = arith.constant 80 : index
    %get3A_225 = tpu.vector_load %arg5[%get3A_223, %get3A_224] {strides = array<i32>} : memref<4x128xi32, #tpu.memory_space<vmem>>, vector<1x16xi32>,
    %get3A_226 = vector.shape_cast %get3A_225 : vector<1x16xi32> to vector<16xi32>
    %max3A_227 = arith.constant 0 : i32
    %max3A_228 = vector.broadcast %max3A_227 : i32 to vector<16xi32>
    %max3A_229 = arith.maxsi %get3A_226, %max3A_228 : vector<16xi32>
    %min3A_230 = arith.constant 999999 : i32
    %min3A_231 = vector.broadcast %min3A_230 : i32 to vector<16xi32>
    %min3A_232 = arith.minsi %max3A_229, %min3A_231 : vector<16xi32>
    %swap3A_233 = arith.constant 1 : i32
    %swap3A_234 = arith.index_cast %swap3A_233 : i32 to index
    %swap3A_235 = arith.constant 80 : index
    %swap3A_236 = tpu.vector_load %arg5[%swap3A_234, %swap3A_235] {strides = array<i32>} : memref<4x128xi32, #tpu.memory_space<vmem>>, vector<1x16xi32>,
    %swap3A_237 = vector.shape_cast %swap3A_236 : vector<1x16xi32> to vector<16xi32>
    %swap3A_238 = vector.shape_cast %min3A_232 : vector<16xi32> to vector<1x16xi32>
    tpu.vector_store %arg5[%swap3A_234, %swap3A_235], %swap3A_238 {strides = array<i32>} : memref<4x128xi32, #tpu.memory_space<vmem>>, vector<1x16xi32>,
    %get3A_239 = arith.constant 1 : i32
    %get3A_240 = arith.index_cast %get3A_239 : i32 to index
    %get3A_241 = arith.constant 96 : index
    %get3A_242 = tpu.vector_load %arg5[%get3A_240, %get3A_241] {strides = array<i32>} : memref<4x128xi32, #tpu.memory_space<vmem>>, vector<1x16xi32>,
    %get3A_243 = vector.shape_cast %get3A_242 : vector<1x16xi32> to vector<16xi32>
    %max3A_244 = arith.constant 0 : i32
    %max3A_245 = vector.broadcast %max3A_244 : i32 to vector<16xi32>
    %max3A_246 = arith.maxsi %get3A_243, %max3A_245 : vector<16xi32>
    %min3A_247 = arith.constant 999999 : i32
    %min3A_248 = vector.broadcast %min3A_247 : i32 to vector<16xi32>
    %min3A_249 = arith.minsi %max3A_246, %min3A_248 : vector<16xi32>
    %swap3A_250 = arith.constant 1 : i32
    %swap3A_251 = arith.index_cast %swap3A_250 : i32 to index
    %swap3A_252 = arith.constant 96 : index
    %swap3A_253 = tpu.vector_load %arg5[%swap3A_251, %swap3A_252] {strides = array<i32>} : memref<4x128xi32, #tpu.memory_space<vmem>>, vector<1x16xi32>,
    %swap3A_254 = vector.shape_cast %swap3A_253 : vector<1x16xi32> to vector<16xi32>
    %swap3A_255 = vector.shape_cast %min3A_249 : vector<16xi32> to vector<1x16xi32>
    tpu.vector_store %arg5[%swap3A_251, %swap3A_252], %swap3A_255 {strides = array<i32>} : memref<4x128xi32, #tpu.memory_space<vmem>>, vector<1x16xi32>,
    %get3A_256 = arith.constant 1 : i32
    %get3A_257 = arith.index_cast %get3A_256 : i32 to index
    %get3A_258 = arith.constant 112 : index
    %get3A_259 = tpu.vector_load %arg5[%get3A_257, %get3A_258] {strides = array<i32>} : memref<4x128xi32, #tpu.memory_space<vmem>>, vector<1x16xi32>,
    %get3A_260 = vector.shape_cast %get3A_259 : vector<1x16xi32> to vector<16xi32>
    %max3A_261 = arith.constant 0 : i32
    %max3A_262 = vector.broadcast %max3A_261 : i32 to vector<16xi32>
    %max3A_263 = arith.maxsi %get3A_260, %max3A_262 : vector<16xi32>
    %min3A_264 = arith.constant 999999 : i32
    %min3A_265 = vector.broadcast %min3A_264 : i32 to vector<16xi32>
    %min3A_266 = arith.minsi %max3A_263, %min3A_265 : vector<16xi32>
    %swap3A_267 = arith.constant 1 : i32
    %swap3A_268 = arith.index_cast %swap3A_267 : i32 to index
    %swap3A_269 = arith.constant 112 : index
    %swap3A_270 = tpu.vector_load %arg5[%swap3A_268, %swap3A_269] {strides = array<i32>} : memref<4x128xi32, #tpu.memory_space<vmem>>, vector<1x16xi32>,
    %swap3A_271 = vector.shape_cast %swap3A_270 : vector<1x16xi32> to vector<16xi32>
    %swap3A_272 = vector.shape_cast %min3A_266 : vector<16xi32> to vector<1x16xi32>
    tpu.vector_store %arg5[%swap3A_268, %swap3A_269], %swap3A_272 {strides = array<i32>} : memref<4x128xi32, #tpu.memory_space<vmem>>, vector<1x16xi32>,
    %get3A_273 = arith.constant 2 : i32
    %get3A_274 = arith.index_cast %get3A_273 : i32 to index
    %get3A_275 = arith.constant 0 : index
    %get3A_276 = tpu.vector_load %arg5[%get3A_274, %get3A_275] {strides = array<i32>} : memref<4x128xi32, #tpu.memory_space<vmem>>, vector<1x16xi32>,
    %get3A_277 = vector.shape_cast %get3A_276 : vector<1x16xi32> to vector<16xi32>
    %max3A_278 = arith.constant 0 : i32
    %max3A_279 = vector.broadcast %max3A_278 : i32 to vector<16xi32>
    %max3A_280 = arith.maxsi %get3A_277, %max3A_279 : vector<16xi32>
    %min3A_281 = arith.constant 999999 : i32
    %min3A_282 = vector.broadcast %min3A_281 : i32 to vector<16xi32>
    %min3A_283 = arith.minsi %max3A_280, %min3A_282 : vector<16xi32>
    %swap3A_284 = arith.constant 2 : i32
    %swap3A_285 = arith.index_cast %swap3A_284 : i32 to index
    %swap3A_286 = arith.constant 0 : index
    %swap3A_287 = tpu.vector_load %arg5[%swap3A_285, %swap3A_286] {strides = array<i32>} : memref<4x128xi32, #tpu.memory_space<vmem>>, vector<1x16xi32>,
    %swap3A_288 = vector.shape_cast %swap3A_287 : vector<1x16xi32> to vector<16xi32>
    %swap3A_289 = vector.shape_cast %min3A_283 : vector<16xi32> to vector<1x16xi32>
    tpu.vector_store %arg5[%swap3A_285, %swap3A_286], %swap3A_289 {strides = array<i32>} : memref<4x128xi32, #tpu.memory_space<vmem>>, vector<1x16xi32>,
    %get3A_290 = arith.constant 2 : i32
    %get3A_291 = arith.index_cast %get3A_290 : i32 to index
    %get3A_292 = arith.constant 16 : index
    %get3A_293 = tpu.vector_load %arg5[%get3A_291, %get3A_292] {strides = array<i32>} : memref<4x128xi32, #tpu.memory_space<vmem>>, vector<1x16xi32>,
    %get3A_294 = vector.shape_cast %get3A_293 : vector<1x16xi32> to vector<16xi32>
    %max3A_295 = arith.constant 0 : i32
    %max3A_296 = vector.broadcast %max3A_295 : i32 to vector<16xi32>
    %max3A_297 = arith.maxsi %get3A_294, %max3A_296 : vector<16xi32>
    %min3A_298 = arith.constant 999999 : i32
    %min3A_299 = vector.broadcast %min3A_298 : i32 to vector<16xi32>
    %min3A_300 = arith.minsi %max3A_297, %min3A_299 : vector<16xi32>
    %swap3A_301 = arith.constant 2 : i32
    %swap3A_302 = arith.index_cast %swap3A_301 : i32 to index
    %swap3A_303 = arith.constant 16 : index
    %swap3A_304 = tpu.vector_load %arg5[%swap3A_302, %swap3A_303] {strides = array<i32>} : memref<4x128xi32, #tpu.memory_space<vmem>>, vector<1x16xi32>,
    %swap3A_305 = vector.shape_cast %swap3A_304 : vector<1x16xi32> to vector<16xi32>
    %swap3A_306 = vector.shape_cast %min3A_300 : vector<16xi32> to vector<1x16xi32>
    tpu.vector_store %arg5[%swap3A_302, %swap3A_303], %swap3A_306 {strides = array<i32>} : memref<4x128xi32, #tpu.memory_space<vmem>>, vector<1x16xi32>,
    %get3A_307 = arith.constant 2 : i32
    %get3A_308 = arith.index_cast %get3A_307 : i32 to index
    %get3A_309 = arith.constant 32 : index
    %get3A_310 = tpu.vector_load %arg5[%get3A_308, %get3A_309] {strides = array<i32>} : memref<4x128xi32, #tpu.memory_space<vmem>>, vector<1x16xi32>,
    %get3A_311 = vector.shape_cast %get3A_310 : vector<1x16xi32> to vector<16xi32>
    %max3A_312 = arith.constant 0 : i32
    %max3A_313 = vector.broadcast %max3A_312 : i32 to vector<16xi32>
    %max3A_314 = arith.maxsi %get3A_311, %max3A_313 : vector<16xi32>
    %min3A_315 = arith.constant 999999 : i32
    %min3A_316 = vector.broadcast %min3A_315 : i32 to vector<16xi32>
    %min3A_317 = arith.minsi %max3A_314, %min3A_316 : vector<16xi32>
    %swap3A_318 = arith.constant 2 : i32
    %swap3A_319 = arith.index_cast %swap3A_318 : i32 to index
    %swap3A_320 = arith.constant 32 : index
    %swap3A_321 = tpu.vector_load %arg5[%swap3A_319, %swap3A_320] {strides = array<i32>} : memref<4x128xi32, #tpu.memory_space<vmem>>, vector<1x16xi32>,
    %swap3A_322 = vector.shape_cast %swap3A_321 : vector<1x16xi32> to vector<16xi32>
    %swap3A_323 = vector.shape_cast %min3A_317 : vector<16xi32> to vector<1x16xi32>
    tpu.vector_store %arg5[%swap3A_319, %swap3A_320], %swap3A_323 {strides = array<i32>} : memref<4x128xi32, #tpu.memory_space<vmem>>, vector<1x16xi32>,
    %get3A_324 = arith.constant 2 : i32
    %get3A_325 = arith.index_cast %get3A_324 : i32 to index
    %get3A_326 = arith.constant 48 : index
    %get3A_327 = tpu.vector_load %arg5[%get3A_325, %get3A_326] {strides = array<i32>} : memref<4x128xi32, #tpu.memory_space<vmem>>, vector<1x16xi32>,
    %get3A_328 = vector.shape_cast %get3A_327 : vector<1x16xi32> to vector<16xi32>
    %max3A_329 = arith.constant 0 : i32
    %max3A_330 = vector.broadcast %max3A_329 : i32 to vector<16xi32>
    %max3A_331 = arith.maxsi %get3A_328, %max3A_330 : vector<16xi32>
    %min3A_332 = arith.constant 999999 : i32
    %min3A_333 = vector.broadcast %min3A_332 : i32 to vector<16xi32>
    %min3A_334 = arith.minsi %max3A_331, %min3A_333 : vector<16xi32>
    %swap3A_335 = arith.constant 2 : i32
    %swap3A_336 = arith.index_cast %swap3A_335 : i32 to index
    %swap3A_337 = arith.constant 48 : index
    %swap3A_338 = tpu.vector_load %arg5[%swap3A_336, %swap3A_337] {strides = array<i32>} : memref<4x128xi32, #tpu.memory_space<vmem>>, vector<1x16xi32>,
    %swap3A_339 = vector.shape_cast %swap3A_338 : vector<1x16xi32> to vector<16xi32>
    %swap3A_340 = vector.shape_cast %min3A_334 : vector<16xi32> to vector<1x16xi32>
    tpu.vector_store %arg5[%swap3A_336, %swap3A_337], %swap3A_340 {strides = array<i32>} : memref<4x128xi32, #tpu.memory_space<vmem>>, vector<1x16xi32>,
    %get3A_341 = arith.constant 2 : i32
    %get3A_342 = arith.index_cast %get3A_341 : i32 to index
    %get3A_343 = arith.constant 64 : index
    %get3A_344 = tpu.vector_load %arg5[%get3A_342, %get3A_343] {strides = array<i32>} : memref<4x128xi32, #tpu.memory_space<vmem>>, vector<1x16xi32>,
    %get3A_345 = vector.shape_cast %get3A_344 : vector<1x16xi32> to vector<16xi32>
    %max3A_346 = arith.constant 0 : i32
    %max3A_347 = vector.broadcast %max3A_346 : i32 to vector<16xi32>
    %max3A_348 = arith.maxsi %get3A_345, %max3A_347 : vector<16xi32>
    %min3A_349 = arith.constant 999999 : i32
    %min3A_350 = vector.broadcast %min3A_349 : i32 to vector<16xi32>
    %min3A_351 = arith.minsi %max3A_348, %min3A_350 : vector<16xi32>
    %swap3A_352 = arith.constant 2 : i32
    %swap3A_353 = arith.index_cast %swap3A_352 : i32 to index
    %swap3A_354 = arith.constant 64 : index
    %swap3A_355 = tpu.vector_load %arg5[%swap3A_353, %swap3A_354] {strides = array<i32>} : memref<4x128xi32, #tpu.memory_space<vmem>>, vector<1x16xi32>,
    %swap3A_356 = vector.shape_cast %swap3A_355 : vector<1x16xi32> to vector<16xi32>
    %swap3A_357 = vector.shape_cast %min3A_351 : vector<16xi32> to vector<1x16xi32>
    tpu.vector_store %arg5[%swap3A_353, %swap3A_354], %swap3A_357 {strides = array<i32>} : memref<4x128xi32, #tpu.memory_space<vmem>>, vector<1x16xi32>,
    %get3A_358 = arith.constant 2 : i32
    %get3A_359 = arith.index_cast %get3A_358 : i32 to index
    %get3A_360 = arith.constant 80 : index
    %get3A_361 = tpu.vector_load %arg5[%get3A_359, %get3A_360] {strides = array<i32>} : memref<4x128xi32, #tpu.memory_space<vmem>>, vector<1x16xi32>,
    %get3A_362 = vector.shape_cast %get3A_361 : vector<1x16xi32> to vector<16xi32>
    %max3A_363 = arith.constant 0 : i32
    %max3A_364 = vector.broadcast %max3A_363 : i32 to vector<16xi32>
    %max3A_365 = arith.maxsi %get3A_362, %max3A_364 : vector<16xi32>
    %min3A_366 = arith.constant 999999 : i32
    %min3A_367 = vector.broadcast %min3A_366 : i32 to vector<16xi32>
    %min3A_368 = arith.minsi %max3A_365, %min3A_367 : vector<16xi32>
    %swap3A_369 = arith.constant 2 : i32
    %swap3A_370 = arith.index_cast %swap3A_369 : i32 to index
    %swap3A_371 = arith.constant 80 : index
    %swap3A_372 = tpu.vector_load %arg5[%swap3A_370, %swap3A_371] {strides = array<i32>} : memref<4x128xi32, #tpu.memory_space<vmem>>, vector<1x16xi32>,
    %swap3A_373 = vector.shape_cast %swap3A_372 : vector<1x16xi32> to vector<16xi32>
    %swap3A_374 = vector.shape_cast %min3A_368 : vector<16xi32> to vector<1x16xi32>
    tpu.vector_store %arg5[%swap3A_370, %swap3A_371], %swap3A_374 {strides = array<i32>} : memref<4x128xi32, #tpu.memory_space<vmem>>, vector<1x16xi32>,
    %get3A_375 = arith.constant 2 : i32
    %get3A_376 = arith.index_cast %get3A_375 : i32 to index
    %get3A_377 = arith.constant 96 : index
    %get3A_378 = tpu.vector_load %arg5[%get3A_376, %get3A_377] {strides = array<i32>} : memref<4x128xi32, #tpu.memory_space<vmem>>, vector<1x16xi32>,
    %get3A_379 = vector.shape_cast %get3A_378 : vector<1x16xi32> to vector<16xi32>
    %max3A_380 = arith.constant 0 : i32
    %max3A_381 = vector.broadcast %max3A_380 : i32 to vector<16xi32>
    %max3A_382 = arith.maxsi %get3A_379, %max3A_381 : vector<16xi32>
    %min3A_383 = arith.constant 999999 : i32
    %min3A_384 = vector.broadcast %min3A_383 : i32 to vector<16xi32>
    %min3A_385 = arith.minsi %max3A_382, %min3A_384 : vector<16xi32>
    %swap3A_386 = arith.constant 2 : i32
    %swap3A_387 = arith.index_cast %swap3A_386 : i32 to index
    %swap3A_388 = arith.constant 96 : index
    %swap3A_389 = tpu.vector_load %arg5[%swap3A_387, %swap3A_388] {strides = array<i32>} : memref<4x128xi32, #tpu.memory_space<vmem>>, vector<1x16xi32>,
    %swap3A_390 = vector.shape_cast %swap3A_389 : vector<1x16xi32> to vector<16xi32>
    %swap3A_391 = vector.shape_cast %min3A_385 : vector<16xi32> to vector<1x16xi32>
    tpu.vector_store %arg5[%swap3A_387, %swap3A_388], %swap3A_391 {strides = array<i32>} : memref<4x128xi32, #tpu.memory_space<vmem>>, vector<1x16xi32>,
    %get3A_392 = arith.constant 2 : i32
    %get3A_393 = arith.index_cast %get3A_392 : i32 to index
    %get3A_394 = arith.constant 112 : index
    %get3A_395 = tpu.vector_load %arg5[%get3A_393, %get3A_394] {strides = array<i32>} : memref<4x128xi32, #tpu.memory_space<vmem>>, vector<1x16xi32>,
    %get3A_396 = vector.shape_cast %get3A_395 : vector<1x16xi32> to vector<16xi32>
    %max3A_397 = arith.constant 0 : i32
    %max3A_398 = vector.broadcast %max3A_397 : i32 to vector<16xi32>
    %max3A_399 = arith.maxsi %get3A_396, %max3A_398 : vector<16xi32>
    %min3A_400 = arith.constant 999999 : i32
    %min3A_401 = vector.broadcast %min3A_400 : i32 to vector<16xi32>
    %min3A_402 = arith.minsi %max3A_399, %min3A_401 : vector<16xi32>
    %swap3A_403 = arith.constant 2 : i32
    %swap3A_404 = arith.index_cast %swap3A_403 : i32 to index
    %swap3A_405 = arith.constant 112 : index
    %swap3A_406 = tpu.vector_load %arg5[%swap3A_404, %swap3A_405] {strides = array<i32>} : memref<4x128xi32, #tpu.memory_space<vmem>>, vector<1x16xi32>,
    %swap3A_407 = vector.shape_cast %swap3A_406 : vector<1x16xi32> to vector<16xi32>
    %swap3A_408 = vector.shape_cast %min3A_402 : vector<16xi32> to vector<1x16xi32>
    tpu.vector_store %arg5[%swap3A_404, %swap3A_405], %swap3A_408 {strides = array<i32>} : memref<4x128xi32, #tpu.memory_space<vmem>>, vector<1x16xi32>,
    %get3A_409 = arith.constant 3 : i32
    %get3A_410 = arith.index_cast %get3A_409 : i32 to index
    %get3A_411 = arith.constant 0 : index
    %get3A_412 = tpu.vector_load %arg5[%get3A_410, %get3A_411] {strides = array<i32>} : memref<4x128xi32, #tpu.memory_space<vmem>>, vector<1x16xi32>,
    %get3A_413 = vector.shape_cast %get3A_412 : vector<1x16xi32> to vector<16xi32>
    %max3A_414 = arith.constant 0 : i32
    %max3A_415 = vector.broadcast %max3A_414 : i32 to vector<16xi32>
    %max3A_416 = arith.maxsi %get3A_413, %max3A_415 : vector<16xi32>
    %min3A_417 = arith.constant 999999 : i32
    %min3A_418 = vector.broadcast %min3A_417 : i32 to vector<16xi32>
    %min3A_419 = arith.minsi %max3A_416, %min3A_418 : vector<16xi32>
    %swap3A_420 = arith.constant 3 : i32
    %swap3A_421 = arith.index_cast %swap3A_420 : i32 to index
    %swap3A_422 = arith.constant 0 : index
    %swap3A_423 = tpu.vector_load %arg5[%swap3A_421, %swap3A_422] {strides = array<i32>} : memref<4x128xi32, #tpu.memory_space<vmem>>, vector<1x16xi32>,
    %swap3A_424 = vector.shape_cast %swap3A_423 : vector<1x16xi32> to vector<16xi32>
    %swap3A_425 = vector.shape_cast %min3A_419 : vector<16xi32> to vector<1x16xi32>
    tpu.vector_store %arg5[%swap3A_421, %swap3A_422], %swap3A_425 {strides = array<i32>} : memref<4x128xi32, #tpu.memory_space<vmem>>, vector<1x16xi32>,
    %get3A_426 = arith.constant 3 : i32
    %get3A_427 = arith.index_cast %get3A_426 : i32 to index
    %get3A_428 = arith.constant 16 : index
    %get3A_429 = tpu.vector_load %arg5[%get3A_427, %get3A_428] {strides = array<i32>} : memref<4x128xi32, #tpu.memory_space<vmem>>, vector<1x16xi32>,
    %get3A_430 = vector.shape_cast %get3A_429 : vector<1x16xi32> to vector<16xi32>
    %max3A_431 = arith.constant 0 : i32
    %max3A_432 = vector.broadcast %max3A_431 : i32 to vector<16xi32>
    %max3A_433 = arith.maxsi %get3A_430, %max3A_432 : vector<16xi32>
    %min3A_434 = arith.constant 999999 : i32
    %min3A_435 = vector.broadcast %min3A_434 : i32 to vector<16xi32>
    %min3A_436 = arith.minsi %max3A_433, %min3A_435 : vector<16xi32>
    %swap3A_437 = arith.constant 3 : i32
    %swap3A_438 = arith.index_cast %swap3A_437 : i32 to index
    %swap3A_439 = arith.constant 16 : index
    %swap3A_440 = tpu.vector_load %arg5[%swap3A_438, %swap3A_439] {strides = array<i32>} : memref<4x128xi32, #tpu.memory_space<vmem>>, vector<1x16xi32>,
    %swap3A_441 = vector.shape_cast %swap3A_440 : vector<1x16xi32> to vector<16xi32>
    %swap3A_442 = vector.shape_cast %min3A_436 : vector<16xi32> to vector<1x16xi32>
    tpu.vector_store %arg5[%swap3A_438, %swap3A_439], %swap3A_442 {strides = array<i32>} : memref<4x128xi32, #tpu.memory_space<vmem>>, vector<1x16xi32>,
    %get3A_443 = arith.constant 3 : i32
    %get3A_444 = arith.index_cast %get3A_443 : i32 to index
    %get3A_445 = arith.constant 32 : index
    %get3A_446 = tpu.vector_load %arg5[%get3A_444, %get3A_445] {strides = array<i32>} : memref<4x128xi32, #tpu.memory_space<vmem>>, vector<1x16xi32>,
    %get3A_447 = vector.shape_cast %get3A_446 : vector<1x16xi32> to vector<16xi32>
    %max3A_448 = arith.constant 0 : i32
    %max3A_449 = vector.broadcast %max3A_448 : i32 to vector<16xi32>
    %max3A_450 = arith.maxsi %get3A_447, %max3A_449 : vector<16xi32>
    %min3A_451 = arith.constant 999999 : i32
    %min3A_452 = vector.broadcast %min3A_451 : i32 to vector<16xi32>
    %min3A_453 = arith.minsi %max3A_450, %min3A_452 : vector<16xi32>
    %swap3A_454 = arith.constant 3 : i32
    %swap3A_455 = arith.index_cast %swap3A_454 : i32 to index
    %swap3A_456 = arith.constant 32 : index
    %swap3A_457 = tpu.vector_load %arg5[%swap3A_455, %swap3A_456] {strides = array<i32>} : memref<4x128xi32, #tpu.memory_space<vmem>>, vector<1x16xi32>,
    %swap3A_458 = vector.shape_cast %swap3A_457 : vector<1x16xi32> to vector<16xi32>
    %swap3A_459 = vector.shape_cast %min3A_453 : vector<16xi32> to vector<1x16xi32>
    tpu.vector_store %arg5[%swap3A_455, %swap3A_456], %swap3A_459 {strides = array<i32>} : memref<4x128xi32, #tpu.memory_space<vmem>>, vector<1x16xi32>,
    %get3A_460 = arith.constant 3 : i32
    %get3A_461 = arith.index_cast %get3A_460 : i32 to index
    %get3A_462 = arith.constant 48 : index
    %get3A_463 = tpu.vector_load %arg5[%get3A_461, %get3A_462] {strides = array<i32>} : memref<4x128xi32, #tpu.memory_space<vmem>>, vector<1x16xi32>,
    %get3A_464 = vector.shape_cast %get3A_463 : vector<1x16xi32> to vector<16xi32>
    %max3A_465 = arith.constant 0 : i32
    %max3A_466 = vector.broadcast %max3A_465 : i32 to vector<16xi32>
    %max3A_467 = arith.maxsi %get3A_464, %max3A_466 : vector<16xi32>
    %min3A_468 = arith.constant 999999 : i32
    %min3A_469 = vector.broadcast %min3A_468 : i32 to vector<16xi32>
    %min3A_470 = arith.minsi %max3A_467, %min3A_469 : vector<16xi32>
    %swap3A_471 = arith.constant 3 : i32
    %swap3A_472 = arith.index_cast %swap3A_471 : i32 to index
    %swap3A_473 = arith.constant 48 : index
    %swap3A_474 = tpu.vector_load %arg5[%swap3A_472, %swap3A_473] {strides = array<i32>} : memref<4x128xi32, #tpu.memory_space<vmem>>, vector<1x16xi32>,
    %swap3A_475 = vector.shape_cast %swap3A_474 : vector<1x16xi32> to vector<16xi32>
    %swap3A_476 = vector.shape_cast %min3A_470 : vector<16xi32> to vector<1x16xi32>
    tpu.vector_store %arg5[%swap3A_472, %swap3A_473], %swap3A_476 {strides = array<i32>} : memref<4x128xi32, #tpu.memory_space<vmem>>, vector<1x16xi32>,
    %get3A_477 = arith.constant 3 : i32
    %get3A_478 = arith.index_cast %get3A_477 : i32 to index
    %get3A_479 = arith.constant 64 : index
    %get3A_480 = tpu.vector_load %arg5[%get3A_478, %get3A_479] {strides = array<i32>} : memref<4x128xi32, #tpu.memory_space<vmem>>, vector<1x16xi32>,
    %get3A_481 = vector.shape_cast %get3A_480 : vector<1x16xi32> to vector<16xi32>
    %max3A_482 = arith.constant 0 : i32
    %max3A_483 = vector.broadcast %max3A_482 : i32 to vector<16xi32>
    %max3A_484 = arith.maxsi %get3A_481, %max3A_483 : vector<16xi32>
    %min3A_485 = arith.constant 999999 : i32
    %min3A_486 = vector.broadcast %min3A_485 : i32 to vector<16xi32>
    %min3A_487 = arith.minsi %max3A_484, %min3A_486 : vector<16xi32>
    %swap3A_488 = arith.constant 3 : i32
    %swap3A_489 = arith.index_cast %swap3A_488 : i32 to index
    %swap3A_490 = arith.constant 64 : index
    %swap3A_491 = tpu.vector_load %arg5[%swap3A_489, %swap3A_490] {strides = array<i32>} : memref<4x128xi32, #tpu.memory_space<vmem>>, vector<1x16xi32>,
    %swap3A_492 = vector.shape_cast %swap3A_491 : vector<1x16xi32> to vector<16xi32>
    %swap3A_493 = vector.shape_cast %min3A_487 : vector<16xi32> to vector<1x16xi32>
    tpu.vector_store %arg5[%swap3A_489, %swap3A_490], %swap3A_493 {strides = array<i32>} : memref<4x128xi32, #tpu.memory_space<vmem>>, vector<1x16xi32>,
    %get3A_494 = arith.constant 3 : i32
    %get3A_495 = arith.index_cast %get3A_494 : i32 to index
    %get3A_496 = arith.constant 80 : index
    %get3A_497 = tpu.vector_load %arg5[%get3A_495, %get3A_496] {strides = array<i32>} : memref<4x128xi32, #tpu.memory_space<vmem>>, vector<1x16xi32>,
    %get3A_498 = vector.shape_cast %get3A_497 : vector<1x16xi32> to vector<16xi32>
    %max3A_499 = arith.constant 0 : i32
    %max3A_500 = vector.broadcast %max3A_499 : i32 to vector<16xi32>
    %max3A_501 = arith.maxsi %get3A_498, %max3A_500 : vector<16xi32>
    %min3A_502 = arith.constant 999999 : i32
    %min3A_503 = vector.broadcast %min3A_502 : i32 to vector<16xi32>
    %min3A_504 = arith.minsi %max3A_501, %min3A_503 : vector<16xi32>
    %swap3A_505 = arith.constant 3 : i32
    %swap3A_506 = arith.index_cast %swap3A_505 : i32 to index
    %swap3A_507 = arith.constant 80 : index
    %swap3A_508 = tpu.vector_load %arg5[%swap3A_506, %swap3A_507] {strides = array<i32>} : memref<4x128xi32, #tpu.memory_space<vmem>>, vector<1x16xi32>,
    %swap3A_509 = vector.shape_cast %swap3A_508 : vector<1x16xi32> to vector<16xi32>
    %swap3A_510 = vector.shape_cast %min3A_504 : vector<16xi32> to vector<1x16xi32>
    tpu.vector_store %arg5[%swap3A_506, %swap3A_507], %swap3A_510 {strides = array<i32>} : memref<4x128xi32, #tpu.memory_space<vmem>>, vector<1x16xi32>,
    %get3A_511 = arith.constant 3 : i32
    %get3A_512 = arith.index_cast %get3A_511 : i32 to index
    %get3A_513 = arith.constant 96 : index
    %get3A_514 = tpu.vector_load %arg5[%get3A_512, %get3A_513] {strides = array<i32>} : memref<4x128xi32, #tpu.memory_space<vmem>>, vector<1x16xi32>,
    %get3A_515 = vector.shape_cast %get3A_514 : vector<1x16xi32> to vector<16xi32>
    %max3A_516 = arith.constant 0 : i32
    %max3A_517 = vector.broadcast %max3A_516 : i32 to vector<16xi32>
    %max3A_518 = arith.maxsi %get3A_515, %max3A_517 : vector<16xi32>
    %min3A_519 = arith.constant 999999 : i32
    %min3A_520 = vector.broadcast %min3A_519 : i32 to vector<16xi32>
    %min3A_521 = arith.minsi %max3A_518, %min3A_520 : vector<16xi32>
    %swap3A_522 = arith.constant 3 : i32
    %swap3A_523 = arith.index_cast %swap3A_522 : i32 to index
    %swap3A_524 = arith.constant 96 : index
    %swap3A_525 = tpu.vector_load %arg5[%swap3A_523, %swap3A_524] {strides = array<i32>} : memref<4x128xi32, #tpu.memory_space<vmem>>, vector<1x16xi32>,
    %swap3A_526 = vector.shape_cast %swap3A_525 : vector<1x16xi32> to vector<16xi32>
    %swap3A_527 = vector.shape_cast %min3A_521 : vector<16xi32> to vector<1x16xi32>
    tpu.vector_store %arg5[%swap3A_523, %swap3A_524], %swap3A_527 {strides = array<i32>} : memref<4x128xi32, #tpu.memory_space<vmem>>, vector<1x16xi32>,
    %get3A_528 = arith.constant 3 : i32
    %get3A_529 = arith.index_cast %get3A_528 : i32 to index
    %get3A_530 = arith.constant 112 : index
    %get3A_531 = tpu.vector_load %arg5[%get3A_529, %get3A_530] {strides = array<i32>} : memref<4x128xi32, #tpu.memory_space<vmem>>, vector<1x16xi32>,
    %get3A_532 = vector.shape_cast %get3A_531 : vector<1x16xi32> to vector<16xi32>
    %max3A_533 = arith.constant 0 : i32
    %max3A_534 = vector.broadcast %max3A_533 : i32 to vector<16xi32>
    %max3A_535 = arith.maxsi %get3A_532, %max3A_534 : vector<16xi32>
    %min3A_536 = arith.constant 999999 : i32
    %min3A_537 = vector.broadcast %min3A_536 : i32 to vector<16xi32>
    %min3A_538 = arith.minsi %max3A_535, %min3A_537 : vector<16xi32>
    %swap3A_539 = arith.constant 3 : i32
    %swap3A_540 = arith.index_cast %swap3A_539 : i32 to index
    %swap3A_541 = arith.constant 112 : index
    %swap3A_542 = tpu.vector_load %arg5[%swap3A_540, %swap3A_541] {strides = array<i32>} : memref<4x128xi32, #tpu.memory_space<vmem>>, vector<1x16xi32>,
    %swap3A_543 = vector.shape_cast %swap3A_542 : vector<1x16xi32> to vector<16xi32>
    %swap3A_544 = vector.shape_cast %min3A_538 : vector<16xi32> to vector<1x16xi32>
    tpu.vector_store %arg5[%swap3A_540, %swap3A_541], %swap3A_544 {strides = array<i32>} : memref<4x128xi32, #tpu.memory_space<vmem>>, vector<1x16xi32>,
    %dma_start3A = arith.constant 0 : i32
    %dma_start3A_545 = arith.constant 0 : i32
    %dma_start3A_546 = arith.constant 0 : i32
    %dma_start3A_547 = tpu.memref_slice %arg6[%dma_start3A_545, %dma_start3A_546] : memref<512x32xf32, #tpu.memory_space<vmem>> -> memref<128x32xf32, #tpu.memory_space<vmem>>
    %dma_start3A_548 = arith.constant 0 : i32
    %dma_start3A_549 = tpu.memref_slice %arg5[%dma_start3A, %dma_start3A_548] : memref<4x128xi32, #tpu.memory_space<vmem>> -> memref<1x128xi32, #tpu.memory_space<vmem>>
    %dma_start3A_550 = tpu.memref_squeeze %dma_start3A_549 : memref<1x128xi32, #tpu.memory_space<vmem>> -> memref<128xi32, #tpu.memory_space<vmem>>
    %dma_start3A_551 = arith.constant 0 : i32
    %dma_start3A_552 = arith.constant 0 : i32
    %dma_start3A_553 = tpu.memref_slice %arg3[%dma_start3A_551, %dma_start3A_552] : memref<1000000x32xf32, #tpu.memory_space<hbm>> -> memref<1000000x32xf32, #tpu.memory_space<hbm>>
    tpu.enqueue_indirect_dma source(%dma_start3A_553 : memref<1000000x32xf32, #tpu.memory_space<hbm>>) target(%dma_start3A_547 : memref<128x32xf32, #tpu.memory_space<vmem>>) offsets(%dma_start3A_550 : memref<128xi32, #tpu.memory_space<vmem>>) semaphore(%arg7 : memref<!tpu.dma_semaphore, #tpu.memory_space<semaphore_mem>>)
    %dma_start3A_554 = arith.constant 1 : i32
    %dma_start3A_555 = arith.constant 128 : i32
    %dma_start3A_556 = arith.constant 0 : i32
    %dma_start3A_557 = tpu.memref_slice %arg6[%dma_start3A_555, %dma_start3A_556] : memref<512x32xf32, #tpu.memory_space<vmem>> -> memref<128x32xf32, #tpu.memory_space<vmem>>
    %dma_start3A_558 = arith.constant 0 : i32
    %dma_start3A_559 = tpu.memref_slice %arg5[%dma_start3A_554, %dma_start3A_558] : memref<4x128xi32, #tpu.memory_space<vmem>> -> memref<1x128xi32, #tpu.memory_space<vmem>>
    %dma_start3A_560 = tpu.memref_squeeze %dma_start3A_559 : memref<1x128xi32, #tpu.memory_space<vmem>> -> memref<128xi32, #tpu.memory_space<vmem>>
    %dma_start3A_561 = arith.constant 0 : i32
    %dma_start3A_562 = arith.constant 0 : i32
    %dma_start3A_563 = tpu.memref_slice %arg3[%dma_start3A_561, %dma_start3A_562] : memref<1000000x32xf32, #tpu.memory_space<hbm>> -> memref<1000000x32xf32, #tpu.memory_space<hbm>>
    tpu.enqueue_indirect_dma source(%dma_start3A_563 : memref<1000000x32xf32, #tpu.memory_space<hbm>>) target(%dma_start3A_557 : memref<128x32xf32, #tpu.memory_space<vmem>>) offsets(%dma_start3A_560 : memref<128xi32, #tpu.memory_space<vmem>>) semaphore(%arg7 : memref<!tpu.dma_semaphore, #tpu.memory_space<semaphore_mem>>)
    %dma_start3A_564 = arith.constant 2 : i32
    %dma_start3A_565 = arith.constant 256 : i32
    %dma_start3A_566 = arith.constant 0 : i32
    %dma_start3A_567 = tpu.memref_slice %arg6[%dma_start3A_565, %dma_start3A_566] : memref<512x32xf32, #tpu.memory_space<vmem>> -> memref<128x32xf32, #tpu.memory_space<vmem>>
    %dma_start3A_568 = arith.constant 0 : i32
    %dma_start3A_569 = tpu.memref_slice %arg5[%dma_start3A_564, %dma_start3A_568] : memref<4x128xi32, #tpu.memory_space<vmem>> -> memref<1x128xi32, #tpu.memory_space<vmem>>
    %dma_start3A_570 = tpu.memref_squeeze %dma_start3A_569 : memref<1x128xi32, #tpu.memory_space<vmem>> -> memref<128xi32, #tpu.memory_space<vmem>>
    %dma_start3A_571 = arith.constant 0 : i32
    %dma_start3A_572 = arith.constant 0 : i32
    %dma_start3A_573 = tpu.memref_slice %arg3[%dma_start3A_571, %dma_start3A_572] : memref<1000000x32xf32, #tpu.memory_space<hbm>> -> memref<1000000x32xf32, #tpu.memory_space<hbm>>
    tpu.enqueue_indirect_dma source(%dma_start3A_573 : memref<1000000x32xf32, #tpu.memory_space<hbm>>) target(%dma_start3A_567 : memref<128x32xf32, #tpu.memory_space<vmem>>) offsets(%dma_start3A_570 : memref<128xi32, #tpu.memory_space<vmem>>) semaphore(%arg7 : memref<!tpu.dma_semaphore, #tpu.memory_space<semaphore_mem>>)
    %dma_start3A_574 = arith.constant 3 : i32
    %dma_start3A_575 = arith.constant 384 : i32
    %dma_start3A_576 = arith.constant 0 : i32
    %dma_start3A_577 = tpu.memref_slice %arg6[%dma_start3A_575, %dma_start3A_576] : memref<512x32xf32, #tpu.memory_space<vmem>> -> memref<128x32xf32, #tpu.memory_space<vmem>>
    %dma_start3A_578 = arith.constant 0 : i32
    %dma_start3A_579 = tpu.memref_slice %arg5[%dma_start3A_574, %dma_start3A_578] : memref<4x128xi32, #tpu.memory_space<vmem>> -> memref<1x128xi32, #tpu.memory_space<vmem>>
    %dma_start3A_580 = tpu.memref_squeeze %dma_start3A_579 : memref<1x128xi32, #tpu.memory_space<vmem>> -> memref<128xi32, #tpu.memory_space<vmem>>
    %dma_start3A_581 = arith.constant 0 : i32
    %dma_start3A_582 = arith.constant 0 : i32
    %dma_start3A_583 = tpu.memref_slice %arg3[%dma_start3A_581, %dma_start3A_582] : memref<1000000x32xf32, #tpu.memory_space<hbm>> -> memref<1000000x32xf32, #tpu.memory_space<hbm>>
    tpu.enqueue_indirect_dma source(%dma_start3A_583 : memref<1000000x32xf32, #tpu.memory_space<hbm>>) target(%dma_start3A_577 : memref<128x32xf32, #tpu.memory_space<vmem>>) offsets(%dma_start3A_580 : memref<128xi32, #tpu.memory_space<vmem>>) semaphore(%arg7 : memref<!tpu.dma_semaphore, #tpu.memory_space<semaphore_mem>>)
    %dma_wait3A = arith.constant 0 : i32
    %dma_wait3A_584 = arith.constant 0 : i32
    %dma_wait3A_585 = arith.constant 0 : i32
    %dma_wait3A_586 = tpu.memref_slice %arg6[%dma_wait3A_584, %dma_wait3A_585] : memref<512x32xf32, #tpu.memory_space<vmem>> -> memref<128x32xf32, #tpu.memory_space<vmem>>
    %dma_wait3A_587 = arith.constant 0 : i32
    %dma_wait3A_588 = tpu.memref_slice %arg5[%dma_wait3A, %dma_wait3A_587] : memref<4x128xi32, #tpu.memory_space<vmem>> -> memref<1x128xi32, #tpu.memory_space<vmem>>
    %dma_wait3A_589 = tpu.memref_squeeze %dma_wait3A_588 : memref<1x128xi32, #tpu.memory_space<vmem>> -> memref<128xi32, #tpu.memory_space<vmem>>
    %dma_wait3A_590 = arith.constant 0 : i32
    %dma_wait3A_591 = arith.constant 0 : i32
    %dma_wait3A_592 = tpu.memref_slice %arg3[%dma_wait3A_590, %dma_wait3A_591] : memref<1000000x32xf32, #tpu.memory_space<hbm>> -> memref<1000000x32xf32, #tpu.memory_space<hbm>>
    tpu.wait_indirect_dma semaphore(%arg7 : memref<!tpu.dma_semaphore, #tpu.memory_space<semaphore_mem>>) src(%dma_wait3A_592 : memref<1000000x32xf32, #tpu.memory_space<hbm>>) dst(%dma_wait3A_586 : memref<128x32xf32, #tpu.memory_space<vmem>>)
    %dma_wait3A_593 = arith.constant 1 : i32
    %dma_wait3A_594 = arith.constant 128 : i32
    %dma_wait3A_595 = arith.constant 0 : i32
    %dma_wait3A_596 = tpu.memref_slice %arg6[%dma_wait3A_594, %dma_wait3A_595] : memref<512x32xf32, #tpu.memory_space<vmem>> -> memref<128x32xf32, #tpu.memory_space<vmem>>
    %dma_wait3A_597 = arith.constant 0 : i32
    %dma_wait3A_598 = tpu.memref_slice %arg5[%dma_wait3A_593, %dma_wait3A_597] : memref<4x128xi32, #tpu.memory_space<vmem>> -> memref<1x128xi32, #tpu.memory_space<vmem>>
    %dma_wait3A_599 = tpu.memref_squeeze %dma_wait3A_598 : memref<1x128xi32, #tpu.memory_space<vmem>> -> memref<128xi32, #tpu.memory_space<vmem>>
    %dma_wait3A_600 = arith.constant 0 : i32
    %dma_wait3A_601 = arith.constant 0 : i32
    %dma_wait3A_602 = tpu.memref_slice %arg3[%dma_wait3A_600, %dma_wait3A_601] : memref<1000000x32xf32, #tpu.memory_space<hbm>> -> memref<1000000x32xf32, #tpu.memory_space<hbm>>
    tpu.wait_indirect_dma semaphore(%arg7 : memref<!tpu.dma_semaphore, #tpu.memory_space<semaphore_mem>>) src(%dma_wait3A_602 : memref<1000000x32xf32, #tpu.memory_space<hbm>>) dst(%dma_wait3A_596 : memref<128x32xf32, #tpu.memory_space<vmem>>)
    %dma_wait3A_603 = arith.constant 2 : i32
    %dma_wait3A_604 = arith.constant 256 : i32
    %dma_wait3A_605 = arith.constant 0 : i32
    %dma_wait3A_606 = tpu.memref_slice %arg6[%dma_wait3A_604, %dma_wait3A_605] : memref<512x32xf32, #tpu.memory_space<vmem>> -> memref<128x32xf32, #tpu.memory_space<vmem>>
    %dma_wait3A_607 = arith.constant 0 : i32
    %dma_wait3A_608 = tpu.memref_slice %arg5[%dma_wait3A_603, %dma_wait3A_607] : memref<4x128xi32, #tpu.memory_space<vmem>> -> memref<1x128xi32, #tpu.memory_space<vmem>>
    %dma_wait3A_609 = tpu.memref_squeeze %dma_wait3A_608 : memref<1x128xi32, #tpu.memory_space<vmem>> -> memref<128xi32, #tpu.memory_space<vmem>>
    %dma_wait3A_610 = arith.constant 0 : i32
    %dma_wait3A_611 = arith.constant 0 : i32
    %dma_wait3A_612 = tpu.memref_slice %arg3[%dma_wait3A_610, %dma_wait3A_611] : memref<1000000x32xf32, #tpu.memory_space<hbm>> -> memref<1000000x32xf32, #tpu.memory_space<hbm>>
    tpu.wait_indirect_dma semaphore(%arg7 : memref<!tpu.dma_semaphore, #tpu.memory_space<semaphore_mem>>) src(%dma_wait3A_612 : memref<1000000x32xf32, #tpu.memory_space<hbm>>) dst(%dma_wait3A_606 : memref<128x32xf32, #tpu.memory_space<vmem>>)
    %dma_wait3A_613 = arith.constant 3 : i32
    %dma_wait3A_614 = arith.constant 384 : i32
    %dma_wait3A_615 = arith.constant 0 : i32
    %dma_wait3A_616 = tpu.memref_slice %arg6[%dma_wait3A_614, %dma_wait3A_615] : memref<512x32xf32, #tpu.memory_space<vmem>> -> memref<128x32xf32, #tpu.memory_space<vmem>>
    %dma_wait3A_617 = arith.constant 0 : i32
    %dma_wait3A_618 = tpu.memref_slice %arg5[%dma_wait3A_613, %dma_wait3A_617] : memref<4x128xi32, #tpu.memory_space<vmem>> -> memref<1x128xi32, #tpu.memory_space<vmem>>
    %dma_wait3A_619 = tpu.memref_squeeze %dma_wait3A_618 : memref<1x128xi32, #tpu.memory_space<vmem>> -> memref<128xi32, #tpu.memory_space<vmem>>
    %dma_wait3A_620 = arith.constant 0 : i32
    %dma_wait3A_621 = arith.constant 0 : i32
    %dma_wait3A_622 = tpu.memref_slice %arg3[%dma_wait3A_620, %dma_wait3A_621] : memref<1000000x32xf32, #tpu.memory_space<hbm>> -> memref<1000000x32xf32, #tpu.memory_space<hbm>>
    tpu.wait_indirect_dma semaphore(%arg7 : memref<!tpu.dma_semaphore, #tpu.memory_space<semaphore_mem>>) src(%dma_wait3A_622 : memref<1000000x32xf32, #tpu.memory_space<hbm>>) dst(%dma_wait3A_616 : memref<128x32xf32, #tpu.memory_space<vmem>>)
    %dma_start3A_623 = arith.constant 0 : i32
    %dma_start3A_624 = tpu.memref_slice %arg4[%mul3A_2, %dma_start3A_623] : memref<16384x32xf32, #tpu.memory_space<hbm>> -> memref<512x32xf32, #tpu.memory_space<hbm>>
    %dma_start3A_625 = arith.constant 0 : i32
    %dma_start3A_626 = tpu.memref_slice %arg4[%mul3A_2, %dma_start3A_625] : memref<16384x32xf32, #tpu.memory_space<hbm>> -> memref<512x32xf32, #tpu.memory_space<hbm>>
    tpu.enqueue_dma source(%arg6 : memref<512x32xf32, #tpu.memory_space<vmem>>) target(%dma_start3A_626 : memref<512x32xf32, #tpu.memory_space<hbm>>) target_semaphore(%arg8 : memref<!tpu.dma_semaphore, #tpu.memory_space<semaphore_mem>>)
    %dma_wait3A_627 = arith.constant 0 : i32
    %dma_wait3A_628 = tpu.memref_slice %arg4[%mul3A_2, %dma_wait3A_627] : memref<16384x32xf32, #tpu.memory_space<hbm>> -> memref<512x32xf32, #tpu.memory_space<hbm>>
    %dma_wait3A_629 = arith.constant 0 : i32
    %dma_wait3A_630 = tpu.memref_slice %arg4[%mul3A_2, %dma_wait3A_629] : memref<16384x32xf32, #tpu.memory_space<hbm>> -> memref<512x32xf32, #tpu.memory_space<hbm>>
    tpu.wait_dma2 semaphore(%arg8 : memref<!tpu.dma_semaphore, #tpu.memory_space<semaphore_mem>>) src(%arg6 : memref<512x32xf32, #tpu.memory_space<vmem>>) dst(%dma_wait3A_630 : memref<512x32xf32, #tpu.memory_space<hbm>>)
    return
  }
}

</mosaic_0001>

<sc_bundles>
// kernel: kernel.3.cloned.1.call-start
scs
__scs_entry_jumppad:
0x0: {  	(pc) =	sbr.rel $0x88, $3  }
0x1: {  	(tag) =	ssettag $0x0;
	lr =	simm.s32 $0x1  }
0x2: {  	[smem:$0x3F9F] =	sst lr;
	_ =	strace $0xD0000000  }
0x3: {  	_ = 	snop  }
0x4: {  	_ = 	snop  }
0x5: {  	_ = 	snop  }
0x6: {  	_ = 	snop  }
0x7: {  	_ = 	snop  }
__scs_overlays_trampoline_lowered:
0x8: {  	[smem:$0x3FAE] =	sst s0  }
0x9: {  	[smem:$0x3FAF] =	sst s1  }
0xa: {  	[smem:$0x3FB0] =	sst s2  }
0xb: {  	[smem:$0x3FB1] =	sst s3  }
0xc: {  	[smem:$0x3FB2] =	sst s4  }
0xd: {  	[smem:$0x3FB3] =	sst s5  }
0xe: {  	[smem:$0x3FB4] =	sst s6  }
0xf: {  	[smem:$0x3FB5] =	sst s7  }
0x10: {  	[smem:$0x3FB6] =	sst s8  }
0x11: {  	[smem:$0x3FB7] =	sst s9;
	s0 =	simm.s32 @!p0 $0x0  }
0x12: {  	s1 =	sld [smem:$0x3F9D];
	s0 =	simm.s32 @p0 $0x1  }
0x13: {  	[smem:$0x3FB8] =	sst s0;
	s0 =	simm.s32 @!p1 $0x0  }
0x14: {  	s2 =	sld [smem:$0x3F9C];
	s0 =	simm.s32 @p1 $0x1  }
0x15: {  	[smem:$0x3FB9] =	sst s0;
	s0 =	simm.s32 @!p2 $0x0  }
0x16: {  	s3 =	sld [smem:$0x3FDB];
	s0 =	simm.s32 @p2 $0x1  }
0x17: {  	s4 =	simm.s32 $0x1BF5;
	[smem:$0x3FBB] =	sst s0  }
0x18: {  	s0 =	sld [smem:$0x3F9E];
	_ =	swait.ge [sflag:s4], $0x0  }
0x19: {  	s7 =	sld [smem:$0x3F9F]  }
0x1a: {  	s8 =	sadd.s32 $0xFFFFE003, lr  }
0x1b: {  	s9 =	sadd.s32 $0xFFFFFEF7, lr;
	s5 =	simm.s32 $0xFFFFFFFF;
	p2 =	slt.u32 s8, $0xFFFFF086  }
0x1c: {  	p1 =	slt.u32 s9, $0xF7A;
	s5 =	simm.s32 @!p2 $0x0  }
0x1d: {  	s5 =	simm.s32 @p1 $0x1;
	p0 =	seq.s32 s7, s2  }
0x1e: {  	s7 =	smul.u32 @!p0 $0xF7A, s2;
	p2 =	seq.s32 @!p0 s5, $0x0  }
0x1f: {  	s9 =	smul.u32 $0xF7A, s1;
	s8 =	simm.s32 @!p0 $0x1BF5;
	p2 =	por !p2, p0  }
0x20: {  	[sflag:s8] =	ssyncset.s32 @!p0 $0xFFFFF086;
	s6 =	sadd.s32 @!p0 s3, s7;
	s7 =	simm.s32 @!p0 $0x108  }
0x21: {  	s3 =	sadd.s32 s3, s9;
	s6 =	sadd.s32 @!p0 $0x88, s6;
	s7 =	simm.s32 @p2 $0x1082  }
0x22: {  	[simem:s7], [sflag:s8] =	dma.local @!p0 [hbm:s6], $0xF7A  }
0x23: {  	s9 =	sor.u32 $0xD0000000, s2;
	s6 =	simm.s32 $0x108;
	_ =	swait.ge @!p0 [sflag:s8], $0x0  }
0x24: {  	s3 =	sadd.s32 $0x88, s3;
	s6 =	simm.s32 @!p1 $0x1082;
	[sflag:s4] =	ssyncset.s32 $0xFFFFF086  }
0x25: {  	[simem:s6], [sflag:s4] =	dma.local [hbm:s3], $0xF7A  }
0x26: {  	[smem:$0x3F9F] =	sst s1;
	(tag) =	ssettag s2;
	_ =	strace s9  }
0x27: {  	s1 =	sld [smem:$0x3FAF]  }
0x28: {  	s2 =	sld [smem:$0x3FB0]  }
0x29: {  	s4 =	sld [smem:$0x3FB2]  }
0x2a: {  	p0 =	seq.s32 s5, $0x0;
	s5 =	sld [smem:$0x3FB3]  }
0x2b: {  	s6 =	sld [smem:$0x3FB4]  }
0x2c: {  	s7 =	sld [smem:$0x3FB5]  }
0x2d: {  	s3 =	simm.s32 $0x108;
	s8 =	sld [smem:$0x3FB6]  }
0x2e: {  	s3 =	simm.s32 @!p0 $0x1082;
	s9 =	sld [smem:$0x3FB7]  }
0x2f: {  	lr =	sadd.s32 s0, s3;
	s0 =	sld [smem:$0x3FAE]  }
0x30: {  	s3 =	sld [smem:$0x3FB1]  }
0x31: {  	[smem:$0x3FBA] =	sst s10  }
0x32: {  	s10 =	sld [smem:$0x3FB8];
	_ =	sdelay $0x3  }
0x33: {  	p0 =	seq.s32 s10, $0x1;
	s10 =	sld [smem:$0x3FBA];
	_ =	sdelay $0x3  }
0x34: {  	[smem:$0x3FBA] =	sst s10  }
0x35: {  	s10 =	sld [smem:$0x3FB9];
	_ =	sdelay $0x3  }
0x36: {  	p1 =	seq.s32 s10, $0x1;
	s10 =	sld [smem:$0x3FBA];
	_ =	sdelay $0x3  }
0x37: {  	[smem:$0x3FBA] =	sst s10  }
0x38: {  	s10 =	sld [smem:$0x3FBB]  }
0x39: {  	_ = 	snop;
	(pc) =	sbr.ind lr, $3  }
0x3a: {  	_ = 	snop  }
0x3b: {  	_ = 	snop  }
0x3c: {  	p2 =	seq.s32 s10, $0x1;
	s10 =	sld [smem:$0x3FBA]  }
0x3d: {  	_ =	shalt  }
0x3e: {  	_ =	shalt  }
0x3f: {  	_ =	shalt  }
0x40: {  	_ =	shalt  }
0x41: {  	_ =	shalt  }
0x42: {  	_ =	shalt  }
0x43: {  	_ =	shalt  }
0x44: {  	_ =	shalt  }
0x45: {  	_ =	shalt  }
0x46: {  	_ =	shalt  }
0x47: {  	_ =	shalt  }
0x48: {  	_ =	shalt  }
0x49: {  	_ =	shalt  }
0x4a: {  	_ =	shalt  }
0x4b: {  	_ =	shalt  }
0x4c: {  	_ =	shalt  }
0x4d: {  	_ =	shalt  }
0x4e: {  	_ =	shalt  }
0x4f: {  	_ =	shalt  }
0x50: {  	_ =	shalt  }
0x51: {  	_ =	shalt  }
0x52: {  	_ =	shalt  }
0x53: {  	_ =	shalt  }
0x54: {  	_ =	shalt  }
0x55: {  	_ =	shalt  }
0x56: {  	_ =	shalt  }
0x57: {  	_ =	shalt  }
0x58: {  	_ =	shalt  }
0x59: {  	_ =	shalt  }
0x5a: {  	_ =	shalt  }
0x5b: {  	_ =	shalt  }
0x5c: {  	_ =	shalt  }
0x5d: {  	_ =	shalt  }
0x5e: {  	_ =	shalt  }
0x5f: {  	_ =	shalt  }
0x60: {  	_ =	shalt  }
0x61: {  	_ =	shalt  }
0x62: {  	_ =	shalt  }
0x63: {  	_ =	shalt  }
0x64: {  	_ =	shalt  }
0x65: {  	_ =	shalt  }
0x66: {  	_ =	shalt  }
0x67: {  	_ =	shalt  }
0x68: {  	_ =	shalt  }
0x69: {  	_ =	shalt  }
0x6a: {  	_ =	shalt  }
0x6b: {  	_ =	shalt  }
0x6c: {  	_ =	shalt  }
0x6d: {  	_ =	shalt  }
0x6e: {  	_ =	shalt  }
0x6f: {  	_ =	shalt  }
0x70: {  	_ =	shalt  }
0x71: {  	_ =	shalt  }
0x72: {  	_ =	shalt  }
0x73: {  	_ =	shalt  }
0x74: {  	_ =	shalt  }
0x75: {  	_ =	shalt  }
0x76: {  	_ =	shalt  }
0x77: {  	_ =	shalt  }
0x78: {  	_ =	shalt  }
0x79: {  	_ =	shalt  }
0x7a: {  	_ =	shalt  }
0x7b: {  	_ =	shalt  }
0x7c: {  	_ =	shalt  }
0x7d: {  	_ =	shalt  }
0x7e: {  	_ =	shalt  }
0x7f: {  	_ =	shalt  }
0x80: {  	_ =	shalt  }
0x81: {  	_ =	shalt  }
0x82: {  	_ =	shalt  }
0x83: {  	_ =	shalt  }
0x84: {  	_ =	shalt  }
0x85: {  	_ =	shalt  }
0x86: {  	_ =	shalt  }
0x87: {  	_ =	shalt  }
.Lfunc_end0:
.L_simem_size_0:
called_computation_lowered:
.L_overlay_start_0:
0x88: {  	s2 =	sld [smem:$0x3FD9]  }
0x89: {  	s3 =	sld [smem:$0x3FFE];
	_ =	sdelay $0x1  }
0x8a: {  	s1 =	srdreg.scid  }
0x8b: {  	s0 =	sand.u32 $0x1, s1  }
0x8c: {  	s17 =	sshll.u32 s0, $0xA;
	s2 =	sadd.s32 s3, s2  }
0x8d: {  	s2 =	sadd.s32 s2, s17  }
0x8e: {  	[smem:$0x3FC6] =	sst s2  }
0x8f: {  	_ = 	snop  }
0x90: {  	s2 =	sld [smem:$0x3FC9]  }
0x91: {  	s18 =	sld [smem:$0x3FD0];
	(tm) =	ssettm $0x1  }
0x92: {  	s4 =	sld [smem:$0x3FFB];
	_ =	sdelay $0x3  }
0x93: {  	_ =	strace s4  }
0x94: {  	s4 =	sld [smem:$0x3FFC];
	_ =	sdelay $0x3  }
0x95: {  	_ =	strace s4  }
0x96: {  	s4 =	sld [smem:$0x3FFD];
	_ =	sdelay $0x3  }
0x97: {  	_ =	strace s4  }
0x98: {  	_ =	strace $0x8FFFFFFF  }
0x99: {  	s19 =	sld [smem:$0x3FDB];
	_ =	sdelay $0x1  }
0x9a: {  	s5 =	simm.s32 $_scs_section_size  }
0x9b: {  	s6 =	simm.s32 $_size__tile_overlayer_lowered;
	s7 =	simm.s32 $_tile_overlayer_lowered  }
0x9c: {  	s22 =	simm.s32 $0x1BFF;
	s21 =	sshll.u32 s7, $0x1;
	s4 =	sadd.s32 s5, s19  }
0x9d: {  	s8 =	simm.s32 $0x0;
	s20 =	sshll.u32 s6, $0x1;
	s6 =	sadd.s32 s21, s4  }
0x9e: {  	[timem:s8], [sflag:s22] =	dma.local [hbm:s6], s20  }
0x9f: {  	_ =	swait.ge [sflag:s22], s20  }
0xa0: {  	s5 =	ssub.s32 $0x0, s20;
	[sflag:s22] =	ssyncset.done $0x0  }
0xa1: {  	[sflag:s22] =	ssyncadd.s32 s5;
	_ =	sdelay $0x1  }
0xa2: {  	s23 =	simm.s32 $0x1B8B  }
0xa3: {  	_ =	swait.ge [sflag:s23], $0x1  }
0xa4: {  	[sflag:s23] =	ssyncset.done $0x0  }
0xa5: {  	s25 =	simm.s32 $0x1B8E;
	s24 =	sld [smem:$0x3FFE];
	[sflag:s23] =	ssyncadd.s32 $0xFFFFFFFF  }
0xa6: {  	s26 =	simm.s32 $execute0_lowered;
	[smem:$0x3FD2] =	sst s25  }
0xa7: {  	s6 =	sshll.u32 s26, $0x1;
	_ =	strace $0x80000046;
	[dreg:$0x1] =	wrdreg $0xFFFFFFFF  }
0xa8: {  	s28 =	simm.s32 $_size_execute0_lowered;
	s4 =	sadd.s32 s4, s6;
	[dreg:$0x0] =	wrdreg $0x0  }
0xa9: {  	s6 =	sshll.u32 s28, $0x1;
	[dreg:$0x2] =	wrdreg s4  }
0xaa: {  	[dreg:$0x3] =	wrdreg s6  }
0xab: {  	[dreg:$0x4] =	wrdreg $0xC0  }
0xac: {  	_ =	task [dreg:s8], $0x5FFFF  }
0xad: {  	[dreg:$0x1] =	wrdreg $0xFFFFFFFF  }
0xae: {  	[dreg:$0x0] =	wrdreg $0x60  }
0xaf: {  	[dreg:$0x2] =	wrdreg s2  }
0xb0: {  	[dreg:$0x3] =	wrdreg s24  }
0xb1: {  	[dreg:$0x4] =	wrdreg s18  }
0xb2: {  	[dreg:$0x5] =	wrdreg $0x9  }
0xb3: {  	_ =	task.clear_ibuf [dreg:s8], $0x6FFFF;
	_ =	strace $0x90000046  }
0xb4: {  	s29 =	simm.s32 $0x9;
	_ =	strace $0x80000048  }
0xb5: {  	_ =	swait.ge [sflag:s29], $0x1  }
0xb6: {  	[sflag:s29] =	ssyncadd.s32 $0xFFFFFFFF  }
0xb7: {  	_ =	strace $0x90000048  }
0xb8: {  	_ =	sfence  }
0xb9: {  	s30 =	sld [smem:$0x0];
	_ =	sdelay $0x2  }
0xba: {  	s31 =	sshll.u32 s1, $0xD;
	s1 =	sshrl.u32 s1, $0x2  }
0xbb: {  	s3 =	sand.u32 $0x4000, s31;
	s1 =	sadd.s32 s1, s30  }
0xbc: {  	s0 =	sor.u32 s3, s0;
	s1 =	sshll.u32 s1, $0x11  }
0xbd: {  	s0 =	sor.u32 s1, s0  }
0xbe: {  	s0 =	sadd.s32 $0x8F2B, s0  }
0xbf: {  	[sflag:s0] =	ssyncadd.remote.s32 $0x1  }
0xc0: {  	_ =	sfence.sel $0xFFFF  }
0xc1: {  	[dreg:$0x0] =	wrdreg $0xFFFFFFFF;
	(pc) =	sbr.abs _section_cstart, $3  }
0xc2: {  	[dreg:$0x1] =	wrdreg $0xFFFFFFFF  }
0xc3: {  	_ =	task.clear_ibuf [dreg:s8], $0x2FFFF;
	_ =	strace $0x9FFFFFFF  }
0xc4: {  	(tm) =	ssettm $0x7FFFFFFF  }
0xc5: {  	_ =	shalt  }
tec
execute0_lowered:
.L_overlay_start_1:
0x0: {  	(tag) =	ssettag $0x1  }
0x1: {  	s3 =	rddreg [dreg:$0x0]  }
0x2: {  	s4 =	rddreg [dreg:$0x1];
	s5 =	srdreg.scid  }
0x3: {  	s6 =	rddreg [dreg:$0x2];
	s5 =	sand.u32 $0x1, s5  }
0x4: {  	s0 =	rddreg [dreg:$0x3];
	s1 =	stileid.u32;
	s8 =	ssub.s32 $0x2, s5  }
0x5: {  	s2 =	simm.s32 $0x0;
	s7 =	sshll.u32 s1, $0x1;
	s30 =	sshrl.u32 s8, $0x1  }
0x6: {  	s7 =	sor.u32 s5, s7;
	s5 =	sadd.s32 $0xF42800, s4;
	s4 =	ssub.s32 s8, s30  }
0x7: {  	s15 =	simm.s32 $0x3;
	s10 =	simm.s32 $0x100;
	s16 =	smax.u32 s4, $0x1  }
0x8: {  	s11 =	simm.s32 $0x2200;
	s12 =	simm.s32 $0x180;
	p1 =	sne.s32 s16, $0x1  }
.Ltmp0:
0x9: {  	s13 =	simm.s32 $0x3200;
	[smem:$0x7FF] =	sst s2;
	(pc) =	sbr.rel @!p1 .LBB2_3-.Ltmp0, $4  }
0xa: {  	p0 =	por $0x0, $0x0;
	_ =	strace $0x80000047;
	s9 =	sshll.u32 s7, $0x6  }
0xb: {  	s31 =	sshll.u32 s7, $0xB;
	s7 =	simm.s32 $0x1;
	s14 =	sadd.s32 s3, s9  }
0xc: {  	s3 =	sadd.s32 s6, s31;
	s8 =	simm.s32 $0x80;
	s9 =	simm.s32 $0x1200  }
0xd: {  	s6 =	simm.s32 $0x2;
	s4 =	simm.s32 $0x200;
	s16 =	sadd.s32 $0xFFFFFFFF, s16  }
0xe: {  	[tilespmem:s2], [sflag:$0x3] =	stream.linear.gather [hbm4b:s14+s2], $0x200, $0x38;
	[tilespmem:$0x4200] =	vst v63  }
0xf: {  	_ =	swait.ge [sflag:s15], $0x200  }
0x10: {  	[sflag:s15] =	ssyncset.done $0x0  }
0x11: {  	[sflag:s15] =	ssyncadd.s32 $0xFFFFFE00  }
0x12: {  	v0 =	vld [tilespmem:$0xD0]  }
0x13: {  	v1 =	vld [tilespmem:$0x80]  }
0x14: {  	v2 =	vld [tilespmem:$0x170]  }
0x15: {  	v4 =	vld [tilespmem:$0x1A0]  }
0x16: {  	v5 =	vld [tilespmem:$0x1D0]  }
0x17: {  	v8 =	vld [tilespmem:$0x1B0]  }
0x18: {  	v6 =	vld [tilespmem:$0x160]  }
0x19: {  	v7 =	vld [tilespmem:$0x1C0];
	vm0 =	vgt.s32 v1, $0x0;
	vm1 =	vgt.s32 v0, $0x0  }
0x1a: {  	v9 =	vld [tilespmem:$0x70];
	vm2 =	vgt.s32 v2, $0x0;
	vm12 =	vgt.s32 v4, $0x0;
	v1 =	vnsel vm0, $0x0, v1  }
0x1b: {  	v46 =	vld [tilespmem:$0x50];
	vm13 =	vgt.s32 v5, $0x0;
	v0 =	vnsel vm1, $0x0, v0;
	v1 =	vmin.u32 v1, $0xF423F  }
0x1c: {  	v3 =	vld [tilespmem:$0x180];
	vm4 =	vgt.s32 v8, $0x0;
	v2 =	vnsel vm2, $0x0, v2;
	v0 =	vmin.u32 v0, $0xF423F;
	[tilespmem:$0x80] =	vst v1  }
0x1d: {  	vm14 =	vgt.s32 v6, $0x0;
	v8 =	vnsel vm4, $0x0, v8;
	v1 =	vmin.u32 v2, $0xF423F;
	v2 =	vld [tilespmem:$0x1E0];
	[tilespmem:$0xD0] =	vst v0  }
0x1e: {  	v48 =	vld [tilespmem:$0x40];
	vm15 =	vgt.s32 v7, $0x0;
	v8 =	vmin.u32 v8, $0xF423F;
	[tilespmem:$0x170] =	vst v1;
	v1 =	vnsel vm12, $0x0, v4  }
0x1f: {  	v50 =	vld [tilespmem:$0xE0];
	vm6 =	vgt.s32 v9, $0x0;
	[tilespmem:$0x1B0] =	vst v8;
	v0 =	vmin.u32 v1, $0xF423F;
	v1 =	vnsel vm13, $0x0, v5  }
0x20: {  	vm7 =	vgt.s32 v46, $0x0;
	v47 =	vnsel vm14, $0x0, v6;
	[tilespmem:$0x1A0] =	vst v0;
	v0 =	vmin.u32 v1, $0xF423F  }
0x21: {  	vm0 =	vgt.s32 v3, $0x0;
	v9 =	vnsel vm6, $0x0, v9;
	v1 =	vmin.u32 v47, $0xF423F;
	[tilespmem:$0x1D0] =	vst v0;
	v0 =	vld [tilespmem:$0x10]  }
0x22: {  	v52 =	vmin.u32 v9, $0xF423F;
	v3 =	vnsel vm0, $0x0, v3;
	[tilespmem:$0x160] =	vst v1;
	v1 =	vld [tilespmem:$0x30];
	vm5 =	vgt.s32 v2, $0x0  }
0x23: {  	v51 =	vld [tilespmem:$0x20];
	vm8 =	vgt.s32 v48, $0x0;
	[tilespmem:$0x70] =	vst v52;
	v3 =	vmin.u32 v3, $0xF423F;
	v2 =	vnsel vm5, $0x0, v2  }
0x24: {  	v53 =	vld [tilespmem:$0xC0];
	vm9 =	vgt.s32 v50, $0x0;
	v4 =	vnsel vm7, $0x0, v46;
	[tilespmem:$0x180] =	vst v3;
	v2 =	vmin.u32 v2, $0xF423F  }
0x25: {  	v54 =	vld [tilespmem:$0xA0];
	v49 =	vnsel vm15, $0x0, v7;
	v4 =	vmin.u32 v4, $0xF423F;
	[tilespmem:$0x1E0] =	vst v2;
	v2 =	vnsel vm8, $0x0, v48  }
0x26: {  	v55 =	vld [tilespmem:$0x90];
	v7 =	vnsel vm9, $0x0, v50;
	[tilespmem:$0x50] =	vst v4;
	vm10 =	vgt.s32 v0, $0x0;
	v2 =	vmin.u32 v2, $0xF423F  }
0x27: {  	v56 =	vld [tilespmem:$0x0];
	vm11 =	vgt.s32 v1, $0x0;
	v0 =	vnsel vm10, $0x0, v0;
	[tilespmem:$0x40] =	vst v2;
	v2 =	vmin.u32 v7, $0xF423F  }
0x28: {  	v58 =	vld [tilespmem:$0x110];
	vm12 =	vgt.s32 v51, $0x0;
	v1 =	vnsel vm11, $0x0, v1;
	v0 =	vmin.u32 v0, $0xF423F;
	[tilespmem:$0xE0] =	vst v2  }
0x29: {  	v57 =	vld [tilespmem:$0x60];
	vm13 =	vgt.s32 v53, $0x0;
	v2 =	vnsel vm12, $0x0, v51;
	v1 =	vmin.u32 v1, $0xF423F;
	[tilespmem:$0x10] =	vst v0  }
0x2a: {  	vm14 =	vgt.s32 v54, $0x0;
	v0 =	vmin.u32 v2, $0xF423F;
	[tilespmem:$0x30] =	vst v1;
	v1 =	vld [tilespmem:$0xB0];
	v2 =	vnsel vm13, $0x0, v53  }
0x2b: {  	v59 =	vld [tilespmem:$0x100];
	[tilespmem:$0x20] =	vst v0;
	v0 =	vnsel vm14, $0x0, v54;
	v2 =	vmin.u32 v2, $0xF423F  }
0x2c: {  	vm15 =	vgt.s32 v55, $0x0;
	vm4 =	vgt.s32 v56, $0x0;
	v0 =	vmin.u32 v0, $0xF423F;
	[tilespmem:$0xC0] =	vst v2;
	v2 =	vld [tilespmem:$0xF0]  }
0x2d: {  	vm6 =	vgt.s32 v58, $0x0;
	v5 =	vmin.u32 v49, $0xF423F;
	v4 =	vnsel vm15, $0x0, v55;
	[tilespmem:$0xA0] =	vst v0;
	v0 =	vld [tilespmem:$0x1F0]  }
0x2e: {  	v61 =	vld [tilespmem:$0x140];
	[tilespmem:$0x1C0] =	vst v5;
	v5 =	vnsel vm6, $0x0, v58;
	v4 =	vmin.u32 v4, $0xF423F;
	vm5 =	vgt.s32 v57, $0x0  }
0x2f: {  	v60 =	vld [tilespmem:$0x150];
	v3 =	vmin.u32 v5, $0xF423F;
	[tilespmem:$0x90] =	vst v4;
	v7 =	vnsel vm5, $0x0, v57;
	vm7 =	vgt.s32 v1, $0x0  }
0x30: {  	v62 =	vld [tilespmem:$0x130];
	[tilespmem:$0x110] =	vst v3;
	vm8 =	vgt.s32 v59, $0x0;
	v7 =	vmin.u32 v7, $0xF423F;
	v1 =	vnsel vm7, $0x0, v1  }
0x31: {  	v3 =	vld [tilespmem:$0x120];
	v6 =	vnsel vm8, $0x0, v59;
	[tilespmem:$0x60] =	vst v7;
	v1 =	vmin.u32 v1, $0xF423F;
	vm9 =	vgt.s32 v2, $0x0  }
0x32: {  	v63 =	vld [tilespmem:$0x190];
	[tilespmem:$0xB0] =	vst v1;
	v1 =	vnsel vm9, $0x0, v2;
	v2 =	vmin.u32 v6, $0xF423F;
	vm10 =	vgt.s32 v0, $0x0  }
0x33: {  	vm12 =	vgt.s32 v61, $0x0;
	v1 =	vmin.u32 v1, $0xF423F;
	[tilespmem:$0x100] =	vst v2;
	v0 =	vnsel vm10, $0x0, v0  }
0x34: {  	p1 =	sne.s32 s16, $0x1;
	vm11 =	vgt.s32 v60, $0x0;
	v2 =	vnsel vm12, $0x0, v61;
	[tilespmem:$0xF0] =	vst v1;
	v0 =	vmin.u32 v0, $0xF423F  }
.Ltmp1:
0x35: {  	vm13 =	vgt.s32 v62, $0x0;
	v1 =	vnsel vm11, $0x0, v60;
	v2 =	vmin.u32 v2, $0xF423F;
	[tilespmem:$0x1F0] =	vst v0;
	(pc) =	sbr.rel @!p1 .LBB2_3-.Ltmp1, $4  }
0x36: {  	vm14 =	vgt.s32 v3, $0x0;
	v1 =	vmin.u32 v1, $0xF423F;
	v0 =	vnsel vm13, $0x0, v62;
	[tilespmem:$0x140] =	vst v2  }
0x37: {  	vm15 =	vgt.s32 v63, $0x0;
	[tilespmem:$0x150] =	vst v1;
	v1 =	vnsel vm14, $0x0, v3;
	v0 =	vmin.u32 v0, $0xF423F  }
0x38: {  	v2 =	vnsel vm4, $0x0, v56;
	v3 =	vnsel vm15, $0x0, v63;
	v1 =	vmin.u32 v1, $0xF423F;
	[tilespmem:$0x130] =	vst v0  }
0x39: {  	s16 =	sadd.s32 $0xFFFFFFFF, s16;
	p0 =	por $0x1, $0x1;
	v0 =	vmin.u32 v2, $0xF423F;
	[tilespmem:$0x120] =	vst v1;
	v1 =	vmin.u32 v3, $0xF423F  }
.LBB2_2:
0x3a: {  	p1 =	sne.s32 s16, $0x1;
	s16 =	sadd.s32 $0xFFFFFFFF, s16;
	[tilespmem:$0x190] =	vst v1  }
0x3b: {  	[tilespmem:$0x0] =	vst v0  }
0x3c: {  	[tilespmem:s4], [sflag:$0x1] =	stream.indirect.gather [hbm4b:s5+s8], $0x20, s2, s8, $0xb8;
	[tilespmem:$0x4200] =	vst v63  }
0x3d: {  	_ = 	snop  }
0x3e: {  	[tilespmem:s9], [sflag:$0x1] =	stream.indirect.gather [hbm4b:s5+s8], $0x20, s8, s8, $0xb8;
	[tilespmem:$0x4200] =	vst v63  }
0x3f: {  	_ = 	snop  }
0x40: {  	[tilespmem:s11], [sflag:$0x1] =	stream.indirect.gather [hbm4b:s5+s8], $0x20, s10, s8, $0xb8;
	[tilespmem:$0x4200] =	vst v63  }
0x41: {  	_ = 	snop  }
0x42: {  	[tilespmem:s13], [sflag:$0x1] =	stream.indirect.gather [hbm4b:s5+s8], $0x20, s12, s8, $0xb8;
	[tilespmem:$0x4200] =	vst v63  }
0x43: {  	_ =	swait.ge [sflag:s7], $0x1000  }
0x44: {  	[sflag:s7] =	ssyncset.done $0x0  }
0x45: {  	[sflag:s7] =	ssyncadd.s32 $0xFFFFF000  }
0x46: {  	_ =	swait.ge [sflag:s7], $0x1000  }
0x47: {  	[sflag:s7] =	ssyncset.done $0x0  }
0x48: {  	[sflag:s7] =	ssyncadd.s32 $0xFFFFF000  }
0x49: {  	_ =	swait.ge [sflag:s7], $0x1000  }
0x4a: {  	[sflag:s7] =	ssyncset.done $0x0  }
0x4b: {  	[sflag:s7] =	ssyncadd.s32 $0xFFFFF000  }
0x4c: {  	_ =	swait.ge [sflag:s7], $0x1000  }
0x4d: {  	[sflag:s7] =	ssyncset.done $0x0  }
0x4e: {  	[sflag:s7] =	ssyncadd.s32 $0xFFFFF000  }
0x4f: {  	[hbm4b:s3+s2] =	stream.linear.scatter [tilespmem:s4], [sflag:$0x2], $0x4000, $0x38;
	[tilespmem:$0x4200] =	vst v63  }
0x50: {  	_ =	swait.ge [sflag:s6], $0x4000  }
0x51: {  	[sflag:s6] =	ssyncset.done $0x0  }
0x52: {  	[sflag:s6] =	ssyncadd.s32 $0xFFFFC000  }
0x53: {  	[tilespmem:s2], [sflag:$0x3] =	stream.linear.gather [hbm4b:s14+s2], $0x200, $0x38;
	[tilespmem:$0x4200] =	vst v63  }
0x54: {  	_ =	swait.ge [sflag:s15], $0x200  }
0x55: {  	[sflag:s15] =	ssyncset.done $0x0  }
0x56: {  	[sflag:s15] =	ssyncadd.s32 $0xFFFFFE00  }
0x57: {  	v0 =	vld [tilespmem:$0xD0]  }
0x58: {  	v1 =	vld [tilespmem:$0x180]  }
0x59: {  	v2 =	vld [tilespmem:$0x80]  }
0x5a: {  	v3 =	vld [tilespmem:$0x170]  }
0x5b: {  	v4 =	vld [tilespmem:$0x160]  }
0x5c: {  	v5 =	vld [tilespmem:$0x1A0]  }
0x5d: {  	vm0 =	vgt.s32 v0, $0x0;
	vm1 =	vgt.s32 v1, $0x0;
	v6 =	vld [tilespmem:$0x1D0]  }
0x5e: {  	v0 =	vnsel vm0, $0x0, v0;
	vm2 =	vgt.s32 v2, $0x0;
	v1 =	vnsel vm1, $0x0, v1;
	v7 =	vld [tilespmem:$0x1C0]  }
0x5f: {  	v0 =	vmin.u32 v0, $0xF423F;
	v2 =	vnsel vm2, $0x0, v2;
	vm0 =	vgt.s32 v3, $0x0;
	v8 =	vld [tilespmem:$0x1B0]  }
0x60: {  	v9 =	vld [tilespmem:$0x10];
	v2 =	vmin.u32 v2, $0xF423F;
	vm1 =	vgt.s32 v4, $0x0;
	v3 =	vnsel vm0, $0x0, v3  }
0x61: {  	[tilespmem:$0x80] =	vst v2;
	v2 =	vnsel vm1, $0x0, v4;
	v3 =	vmin.u32 v3, $0xF423F;
	vm0 =	vgt.s32 v5, $0x0;
	v4 =	vld [tilespmem:$0x1E0]  }
0x62: {  	v10 =	vld [tilespmem:$0x70];
	v2 =	vmin.u32 v2, $0xF423F;
	[tilespmem:$0x170] =	vst v3;
	v3 =	vnsel vm0, $0x0, v5;
	vm0 =	vgt.s32 v6, $0x0  }
0x63: {  	v5 =	vld [tilespmem:$0x50];
	[tilespmem:$0xD0] =	vst v0;
	v0 =	vmin.u32 v3, $0xF423F;
	vm1 =	vgt.s32 v7, $0x0;
	v3 =	vnsel vm0, $0x0, v6  }
0x64: {  	v6 =	vld [tilespmem:$0x40];
	[tilespmem:$0x1A0] =	vst v0;
	vm0 =	vgt.s32 v8, $0x0;
	v0 =	vnsel vm1, $0x0, v7;
	v3 =	vmin.u32 v3, $0xF423F  }
0x65: {  	vm1 =	vgt.s32 v9, $0x0;
	v7 =	vld [tilespmem:$0xE0];
	v8 =	vnsel vm0, $0x0, v8;
	v0 =	vmin.u32 v0, $0xF423F;
	[tilespmem:$0x1D0] =	vst v3  }
0x66: {  	v3 =	vnsel vm1, $0x0, v9;
	v9 =	vld [tilespmem:$0x30];
	[tilespmem:$0x160] =	vst v2;
	v2 =	vmin.u32 v8, $0xF423F;
	vm0 =	vgt.s32 v4, $0x0  }
0x67: {  	v3 =	vmin.u32 v3, $0xF423F;
	v8 =	vld [tilespmem:$0x20];
	vm1 =	vgt.s32 v10, $0x0;
	[tilespmem:$0x1C0] =	vst v0;
	v0 =	vnsel vm0, $0x0, v4  }
0x68: {  	v4 =	vld [tilespmem:$0x0];
	vm0 =	vgt.s32 v5, $0x0;
	v10 =	vnsel vm1, $0x0, v10;
	[tilespmem:$0x1B0] =	vst v2;
	v0 =	vmin.u32 v0, $0xF423F  }
0x69: {  	vm1 =	vgt.s32 v6, $0x0;
	v2 =	vnsel vm0, $0x0, v5;
	v5 =	vmin.u32 v10, $0xF423F;
	v10 =	vld [tilespmem:$0xC0];
	[tilespmem:$0x1E0] =	vst v0  }
0x6a: {  	v0 =	vnsel vm1, $0x0, v6;
	v2 =	vmin.u32 v2, $0xF423F;
	[tilespmem:$0x70] =	vst v5;
	v5 =	vld [tilespmem:$0xA0];
	vm0 =	vgt.s32 v7, $0x0  }
0x6b: {  	vm1 =	vgt.s32 v9, $0x0;
	v0 =	vmin.u32 v0, $0xF423F;
	[tilespmem:$0x50] =	vst v2;
	v2 =	vld [tilespmem:$0x90];
	v6 =	vnsel vm0, $0x0, v7  }
0x6c: {  	vm0 =	vgt.s32 v8, $0x0;
	v7 =	vnsel vm1, $0x0, v9;
	[tilespmem:$0x40] =	vst v0;
	v9 =	vld [tilespmem:$0x60];
	v0 =	vmin.u32 v6, $0xF423F  }
0x6d: {  	vm1 =	vgt.s32 v4, $0x0;
	v6 =	vnsel vm0, $0x0, v8;
	v7 =	vmin.u32 v7, $0xF423F;
	[tilespmem:$0xE0] =	vst v0;
	v8 =	vld [tilespmem:$0x110]  }
0x6e: {  	v0 =	vnsel vm1, $0x0, v4;
	[tilespmem:$0x10] =	vst v3;
	v3 =	vmin.u32 v6, $0xF423F;
	vm0 =	vgt.s32 v10, $0x0  }
0x6f: {  	v0 =	vmin.u32 v0, $0xF423F;
	[tilespmem:$0x30] =	vst v7;
	vm1 =	vgt.s32 v5, $0x0;
	v4 =	vld [tilespmem:$0xB0];
	v6 =	vnsel vm0, $0x0, v10  }
0x70: {  	[tilespmem:$0x20] =	vst v3;
	vm0 =	vgt.s32 v2, $0x0;
	v3 =	vnsel vm1, $0x0, v5;
	v5 =	vmin.u32 v6, $0xF423F;
	v6 =	vld [tilespmem:$0x100]  }
0x71: {  	vm1 =	vgt.s32 v9, $0x0;
	v2 =	vnsel vm0, $0x0, v2;
	v3 =	vmin.u32 v3, $0xF423F;
	[tilespmem:$0xC0] =	vst v5;
	v5 =	vld [tilespmem:$0xF0]  }
0x72: {  	v7 =	vnsel vm1, $0x0, v9;
	v2 =	vmin.u32 v2, $0xF423F;
	[tilespmem:$0xA0] =	vst v3;
	vm0 =	vgt.s32 v8, $0x0;
	v3 =	vld [tilespmem:$0x1F0]  }
0x73: {  	v1 =	vmin.u32 v1, $0xF423F;
	v7 =	vmin.u32 v7, $0xF423F;
	[tilespmem:$0x90] =	vst v2;
	v2 =	vnsel vm0, $0x0, v8;
	v8 =	vld [tilespmem:$0x150]  }
0x74: {  	vm0 =	vgt.s32 v4, $0x0;
	v2 =	vmin.u32 v2, $0xF423F;
	v9 =	vld [tilespmem:$0x140];
	[tilespmem:$0x180] =	vst v1  }
0x75: {  	[tilespmem:$0x60] =	vst v7;
	v1 =	vnsel vm0, $0x0, v4;
	vm0 =	vgt.s32 v6, $0x0;
	v4 =	vld [tilespmem:$0x130]  }
0x76: {  	v1 =	vmin.u32 v1, $0xF423F;
	vm1 =	vgt.s32 v5, $0x0;
	v6 =	vnsel vm0, $0x0, v6;
	[tilespmem:$0x110] =	vst v2;
	v2 =	vld [tilespmem:$0x120]  }
0x77: {  	[tilespmem:$0xB0] =	vst v1;
	v1 =	vnsel vm1, $0x0, v5;
	v5 =	vmin.u32 v6, $0xF423F;
	v6 =	vld [tilespmem:$0x190];
	vm0 =	vgt.s32 v3, $0x0  }
0x78: {  	v1 =	vmin.u32 v1, $0xF423F;
	[tilespmem:$0x100] =	vst v5;
	vm1 =	vgt.s32 v8, $0x0;
	v3 =	vnsel vm0, $0x0, v3  }
0x79: {  	[tilespmem:$0xF0] =	vst v1;
	vm0 =	vgt.s32 v9, $0x0;
	v1 =	vnsel vm1, $0x0, v8;
	v3 =	vmin.u32 v3, $0xF423F  }
.Ltmp2:
0x7a: {  	vm1 =	vgt.s32 v4, $0x0;
	v5 =	vnsel vm0, $0x0, v9;
	v1 =	vmin.u32 v1, $0xF423F;
	[tilespmem:$0x1F0] =	vst v3;
	(pc) =	sbr.rel @p1 .LBB2_2-.Ltmp2, $4  }
0x7b: {  	vm0 =	vgt.s32 v2, $0x0;
	v3 =	vnsel vm1, $0x0, v4;
	v4 =	vmin.u32 v5, $0xF423F;
	[tilespmem:$0x150] =	vst v1  }
0x7c: {  	v1 =	vnsel vm0, $0x0, v2;
	v2 =	vmin.u32 v3, $0xF423F;
	[tilespmem:$0x140] =	vst v4;
	vm0 =	vgt.s32 v6, $0x0  }
0x7d: {  	v1 =	vmin.u32 v1, $0xF423F;
	[tilespmem:$0x130] =	vst v2;
	v2 =	vnsel vm0, $0x0, v6  }
0x7e: {  	[tilespmem:$0x120] =	vst v1;
	v1 =	vmin.u32 v2, $0xF423F  }
.LBB2_3:
0x7f: {  	[tilespmem:$0x190] =	vst @p0 v1  }
0x80: {  	[tilespmem:$0x0] =	vst @p0 v0  }
0x81: {  	[tilespmem:s4], [sflag:$0x1] =	stream.indirect.gather @p0 [hbm4b:s5+s8], $0x20, s2, s8, $0xb8;
	[tilespmem:$0x4200] =	vst v63  }
0x82: {  	_ = 	snop  }
0x83: {  	[tilespmem:s9], [sflag:$0x1] =	stream.indirect.gather @p0 [hbm4b:s5+s8], $0x20, s8, s8, $0xb8;
	[tilespmem:$0x4200] =	vst v63  }
0x84: {  	_ = 	snop  }
0x85: {  	[tilespmem:s11], [sflag:$0x1] =	stream.indirect.gather @p0 [hbm4b:s5+s8], $0x20, s10, s8, $0xb8;
	[tilespmem:$0x4200] =	vst v63  }
0x86: {  	_ = 	snop  }
0x87: {  	[tilespmem:s13], [sflag:$0x1] =	stream.indirect.gather @p0 [hbm4b:s5+s8], $0x20, s12, s8, $0xb8;
	[tilespmem:$0x4200] =	vst v63  }
0x88: {  	_ =	swait.ge @p0 [sflag:s7], $0x1000  }
0x89: {  	[sflag:s7] =	ssyncset.done @p0 $0x0  }
0x8a: {  	[sflag:s7] =	ssyncadd.s32 @p0 $0xFFFFF000  }
0x8b: {  	_ =	swait.ge @p0 [sflag:s7], $0x1000  }
0x8c: {  	[sflag:s7] =	ssyncset.done @p0 $0x0  }
0x8d: {  	[sflag:s7] =	ssyncadd.s32 @p0 $0xFFFFF000  }
0x8e: {  	_ =	swait.ge @p0 [sflag:s7], $0x1000  }
0x8f: {  	[sflag:s7] =	ssyncset.done @p0 $0x0  }
0x90: {  	[sflag:s7] =	ssyncadd.s32 @p0 $0xFFFFF000  }
0x91: {  	_ =	swait.ge @p0 [sflag:s7], $0x1000  }
0x92: {  	[sflag:s7] =	ssyncset.done @p0 $0x0  }
0x93: {  	[sflag:s7] =	ssyncadd.s32 @p0 $0xFFFFF000  }
0x94: {  	[hbm4b:s3+s2] =	stream.linear.scatter @p0 [tilespmem:s4], [sflag:$0x2], $0x4000, $0x38;
	[tilespmem:$0x4200] =	vst v63  }
0x95: {  	_ =	swait.ge @p0 [sflag:s6], $0x4000  }
0x96: {  	[sflag:s6] =	ssyncset.done @p0 $0x0  }
0x97: {  	[sflag:s6] =	ssyncadd.s32 @p0 $0xFFFFC000  }
0x98: {  	[tilespmem:s2], [sflag:$0x3] =	stream.linear.gather [hbm4b:s14+s2], $0x200, $0x38;
	[tilespmem:$0x4200] =	vst v63  }
0x99: {  	_ =	swait.ge [sflag:s15], $0x200  }
0x9a: {  	[sflag:s15] =	ssyncset.done $0x0  }
0x9b: {  	[sflag:s15] =	ssyncadd.s32 $0xFFFFFE00  }
0x9c: {  	v16 =	vld [tilespmem:$0x80]  }
0x9d: {  	v17 =	vld [tilespmem:$0x170]  }
0x9e: {  	v2 =	vld [tilespmem:$0xD0]  }
0x9f: {  	v3 =	vld [tilespmem:$0x1A0]  }
0xa0: {  	v4 =	vld [tilespmem:$0x1D0]  }
0xa1: {  	v5 =	vld [tilespmem:$0x160]  }
0xa2: {  	v6 =	vld [tilespmem:$0x1C0]  }
0xa3: {  	v7 =	vld [tilespmem:$0x1B0];
	vm0 =	vgt.s32 v16, $0x0;
	vm10 =	vgt.s32 v17, $0x0  }
0xa4: {  	v8 =	vld [tilespmem:$0x70];
	vm1 =	vgt.s32 v2, $0x0;
	vm11 =	vgt.s32 v3, $0x0;
	v0 =	vnsel vm0, $0x0, v16  }
0xa5: {  	v21 =	vld [tilespmem:$0x50];
	vm12 =	vgt.s32 v4, $0x0;
	v1 =	vnsel vm10, $0x0, v17;
	v0 =	vmin.u32 v0, $0xF423F  }
0xa6: {  	v28 =	vld [tilespmem:$0xE0];
	vm13 =	vgt.s32 v5, $0x0;
	v2 =	vnsel vm1, $0x0, v2;
	v18 =	vmin.u32 v1, $0xF423F;
	[tilespmem:$0x80] =	vst v0  }
0xa7: {  	vm14 =	vgt.s32 v6, $0x0;
	v22 =	vnsel vm12, $0x0, v4;
	v2 =	vmin.u32 v2, $0xF423F;
	[tilespmem:$0x170] =	vst v18  }
0xa8: {  	v24 =	vld [tilespmem:$0x40];
	vm15 =	vgt.s32 v7, $0x0;
	v23 =	vnsel vm13, $0x0, v5;
	v25 =	vmin.u32 v22, $0xF423F;
	[tilespmem:$0xD0] =	vst v2  }
0xa9: {  	v19 =	vld [tilespmem:$0x1E0];
	vm5 =	vgt.s32 v8, $0x0;
	v27 =	vnsel vm14, $0x0, v6;
	v26 =	vmin.u32 v23, $0xF423F;
	[tilespmem:$0x1D0] =	vst v25  }
0xaa: {  	v31 =	vld [tilespmem:$0x20];
	vm6 =	vgt.s32 v21, $0x0;
	v7 =	vnsel vm15, $0x0, v7;
	v4 =	vmin.u32 v27, $0xF423F;
	[tilespmem:$0x160] =	vst v26  }
0xab: {  	v46 =	vld [tilespmem:$0x100];
	vm8 =	vgt.s32 v28, $0x0;
	v8 =	vnsel vm5, $0x0, v8;
	v7 =	vmin.u32 v7, $0xF423F;
	[tilespmem:$0x1C0] =	vst v4  }
0xac: {  	v20 =	vnsel vm11, $0x0, v3;
	v3 =	vnsel vm6, $0x0, v21;
	v32 =	vmin.u32 v8, $0xF423F;
	[tilespmem:$0x1B0] =	vst v7  }
0xad: {  	v30 =	vld [tilespmem:$0x30];
	vm7 =	vgt.s32 v24, $0x0;
	v6 =	vnsel vm8, $0x0, v28;
	v3 =	vmin.u32 v3, $0xF423F;
	[tilespmem:$0x70] =	vst v32  }
0xae: {  	v36 =	vld [tilespmem:$0x90];
	vm4 =	vgt.s32 v19, $0x0;
	v34 =	vnsel vm7, $0x0, v24;
	v38 =	vmin.u32 v6, $0xF423F;
	[tilespmem:$0x50] =	vst v3  }
0xaf: {  	v37 =	vld [tilespmem:$0x180];
	vm11 =	vgt.s32 v31, $0x0;
	v1 =	vnsel vm4, $0x0, v19;
	v0 =	vmin.u32 v20, $0xF423F;
	[tilespmem:$0xE0] =	vst v38  }
0xb0: {  	v39 =	vld [tilespmem:$0x60];
	vm7 =	vgt.s32 v46, $0x0;
	v40 =	vnsel vm11, $0x0, v31;
	v1 =	vmin.u32 v1, $0xF423F;
	[tilespmem:$0x1A0] =	vst v0  }
0xb1: {  	v41 =	vld [tilespmem:$0x110];
	v5 =	vnsel vm7, $0x0, v46;
	v42 =	vmin.u32 v40, $0xF423F;
	[tilespmem:$0x1E0] =	vst v1  }
0xb2: {  	v29 =	vld [tilespmem:$0x10];
	vm10 =	vgt.s32 v30, $0x0;
	v54 =	vmin.u32 v5, $0xF423F;
	[tilespmem:$0x20] =	vst v42  }
0xb3: {  	v33 =	vld [tilespmem:$0xC0];
	vm14 =	vgt.s32 v36, $0x0;
	v2 =	vnsel vm10, $0x0, v30;
	v1 =	vmin.u32 v34, $0xF423F;
	[tilespmem:$0x100] =	vst v54  }
0xb4: {  	v56 =	vld [tilespmem:$0x0];
	vm15 =	vgt.s32 v37, $0x0;
	v3 =	vnsel vm14, $0x0, v36;
	v2 =	vmin.u32 v2, $0xF423F;
	[tilespmem:$0x40] =	vst v1  }
0xb5: {  	v35 =	vld [tilespmem:$0xA0];
	vm4 =	vgt.s32 v39, $0x0;
	v7 =	vnsel vm15, $0x0, v37;
	v3 =	vmin.u32 v3, $0xF423F;
	[tilespmem:$0x30] =	vst v2  }
0xb6: {  	v43 =	vld [tilespmem:$0xB0];
	vm5 =	vgt.s32 v41, $0x0;
	v6 =	vnsel vm4, $0x0, v39;
	v7 =	vmin.u32 v7, $0xF423F;
	[tilespmem:$0x90] =	vst v3  }
0xb7: {  	v50 =	vld [tilespmem:$0x140];
	vm9 =	vgt.s32 v29, $0x0;
	v4 =	vnsel vm5, $0x0, v41;
	v6 =	vmin.u32 v6, $0xF423F;
	[tilespmem:$0x180] =	vst v7  }
0xb8: {  	v47 =	vld [tilespmem:$0xF0];
	vm12 =	vgt.s32 v33, $0x0;
	v0 =	vnsel vm9, $0x0, v29;
	v4 =	vmin.u32 v4, $0xF423F;
	[tilespmem:$0x60] =	vst v6  }
0xb9: {  	v48 =	vld [tilespmem:$0x1F0];
	v44 =	vnsel vm12, $0x0, v33;
	vm15 =	vgt.s32 v56, $0x0;
	v0 =	vmin.u32 v0, $0xF423F;
	[tilespmem:$0x110] =	vst v4  }
0xba: {  	v49 =	vld [tilespmem:$0x150];
	vm13 =	vgt.s32 v35, $0x0;
	v62 =	vnsel vm15, $0x0, v56;
	v2 =	vmin.u32 v44, $0xF423F;
	[tilespmem:$0x10] =	vst v0  }
0xbb: {  	v51 =	vld [tilespmem:$0x130];
	vm6 =	vgt.s32 v43, $0x0;
	v45 =	vnsel vm13, $0x0, v35;
	v63 =	vmin.u32 v62, $0xF423F;
	[tilespmem:$0xC0] =	vst v2  }
0xbc: {  	v52 =	vld [tilespmem:$0x120];
	vm11 =	vgt.s32 v50, $0x0;
	v1 =	vnsel vm6, $0x0, v43;
	v0 =	vmin.u32 v45, $0xF423F;
	[tilespmem:$0x0] =	vst v63  }
0xbd: {  	v55 =	vld [tilespmem:$0x190];
	vm8 =	vgt.s32 v47, $0x0;
	v58 =	vnsel vm11, $0x0, v50;
	v1 =	vmin.u32 v1, $0xF423F;
	[tilespmem:$0xA0] =	vst v0  }
0xbe: {  	v53 =	vnsel vm8, $0x0, v47;
	vm9 =	vgt.s32 v48, $0x0;
	v2 =	vmin.u32 v58, $0xF423F;
	[tilespmem:$0xB0] =	vst v1  }
0xbf: {  	vm10 =	vgt.s32 v49, $0x0;
	v1 =	vmin.u32 v53, $0xF423F;
	v0 =	vnsel vm9, $0x0, v48;
	[tilespmem:$0x140] =	vst v2  }
0xc0: {  	vm12 =	vgt.s32 v51, $0x0;
	v57 =	vnsel vm10, $0x0, v49;
	[tilespmem:$0xF0] =	vst v1;
	v0 =	vmin.u32 v0, $0xF423F  }
0xc1: {  	vm13 =	vgt.s32 v52, $0x0;
	v59 =	vnsel vm12, $0x0, v51;
	v1 =	vmin.u32 v57, $0xF423F;
	[tilespmem:$0x1F0] =	vst v0  }
0xc2: {  	v60 =	vnsel vm13, $0x0, v52;
	vm14 =	vgt.s32 v55, $0x0;
	[tilespmem:$0x150] =	vst v1;
	v0 =	vmin.u32 v59, $0xF423F  }
0xc3: {  	v61 =	vnsel vm14, $0x0, v55;
	v1 =	vmin.u32 v60, $0xF423F;
	[tilespmem:$0x130] =	vst v0  }
0xc4: {  	[tilespmem:$0x120] =	vst v1;
	v0 =	vmin.u32 v61, $0xF423F  }
0xc5: {  	[tilespmem:$0x190] =	vst v0  }
0xc6: {  	[tilespmem:s4], [sflag:$0x1] =	stream.indirect.gather [hbm4b:s5+s8], $0x20, s2, s8, $0xb8;
	[tilespmem:$0x4200] =	vst v63  }
0xc7: {  	_ = 	snop  }
0xc8: {  	[tilespmem:s9], [sflag:$0x1] =	stream.indirect.gather [hbm4b:s5+s8], $0x20, s8, s8, $0xb8;
	[tilespmem:$0x4200] =	vst v63  }
0xc9: {  	_ = 	snop  }
0xca: {  	[tilespmem:s11], [sflag:$0x1] =	stream.indirect.gather [hbm4b:s5+s8], $0x20, s10, s8, $0xb8;
	[tilespmem:$0x4200] =	vst v63  }
0xcb: {  	_ = 	snop  }
0xcc: {  	[tilespmem:s13], [sflag:$0x1] =	stream.indirect.gather [hbm4b:s5+s8], $0x20, s12, s8, $0xb8;
	[tilespmem:$0x4200] =	vst v63  }
0xcd: {  	_ =	swait.ge [sflag:s7], $0x1000  }
0xce: {  	[sflag:s7] =	ssyncset.done $0x0  }
0xcf: {  	[sflag:s7] =	ssyncadd.s32 $0xFFFFF000  }
0xd0: {  	_ =	swait.ge [sflag:s7], $0x1000  }
0xd1: {  	[sflag:s7] =	ssyncset.done $0x0  }
0xd2: {  	[sflag:s7] =	ssyncadd.s32 $0xFFFFF000  }
0xd3: {  	_ =	swait.ge [sflag:s7], $0x1000  }
0xd4: {  	[sflag:s7] =	ssyncset.done $0x0  }
0xd5: {  	[sflag:s7] =	ssyncadd.s32 $0xFFFFF000  }
0xd6: {  	_ =	swait.ge [sflag:s7], $0x1000  }
0xd7: {  	[sflag:s7] =	ssyncset.done $0x0  }
0xd8: {  	[sflag:s7] =	ssyncadd.s32 $0xFFFFF000  }
0xd9: {  	[hbm4b:s3+s2] =	stream.linear.scatter [tilespmem:s4], [sflag:$0x2], $0x4000, $0x38;
	[tilespmem:$0x4200] =	vst v63  }
0xda: {  	_ =	swait.ge [sflag:s6], $0x4000  }
0xdb: {  	[sflag:s6] =	ssyncset.done $0x0  }
0xdc: {  	[sflag:s6] =	ssyncadd.s32 $0xFFFFC000  }
0xdd: {  	_ =	sfence.sel $0x180000  }
0xde: {  	[bflag:$0x0] =	sbarrier.arrive $0xFFFF  }
0xdf: {  	p0 =	sne.s32 s1, $0x0;
	_ =	strace $0x90000047  }
0xe0: {  	s0 =	sadd.s32 @!p0 $0x100000, s0;
	[bflag:$0x2] =	sbarrier.arrive $0xFFFF  }
0xe1: {  	[sflag:s0] =	ssyncadd.tile.s32 @!p0 $0x1;
	_ =	shalt  }
.Lfunc_end2:
_tile_overlayer_lowered:
.L_overlay_start_2:
0xe2: {  	(tag) =	ssettag $0x2  }
0xe3: {  	s0 =	rddreg [dreg:$0x0];
	s2 =	stileid.u32  }
0xe4: {  	s1 =	rddreg [dreg:$0x1];
	p0 =	sne.s32 s2, $0x0  }
0xe5: {  	s3 =	rddreg [dreg:$0x2];
	[bflag:$0x3] =	sbarrier.arrive $0xFFFF;
	s2 =	simm.s32 @!p0 $0x1C03  }
0xe6: {  	[timem:s3], [sflag:s2] =	dma.local @!p0 [hbm:s0], s1  }
0xe7: {  	s0 =	simm.s32 @!p0 $0x3  }
0xe8: {  	_ =	swait.ge @!p0 [sflag:s0], s1  }
0xe9: {  	s1 =	ssub.s32 @!p0 $0x0, s1;
	[sflag:s0] =	ssyncset.done @!p0 $0x0  }
0xea: {  	[sflag:s0] =	ssyncadd.s32 @!p0 s1  }
0xeb: {  	[bflag:$0x3] =	sbarrier.arrive $0xFFFF  }
0xec: {  	_ =	shalt  }

</sc_bundles>
